<compile_context>
chip_gen: v7x
topology: tpu7x:2x2x1
jax: 0.10.2.dev20260603
libtpu: 0.0.44.dev20260713+nightly
codegen_flags: <defaults>
</compile_context>

<pallas_src>
import functools

import jax
import jax.numpy as jnp
from jax.experimental import pallas as pl
from jax.experimental.pallas import tpu as pltpu

B = 1
S = 2048
D = 2048
E = 8
K = 2
F = 1408
SF = 5632

T = B * S
N = T * K

BM = 256
NUM_TILES = N // BM
V = NUM_TILES + E - 1
BF = 704
NF = F // BF

BMS = 512
BFS = 704
NFS = SF // BFS

BMR = 512


def _gmm_kernel(tile_ids, group_ids, row_start, row_end,
                x_ref, w_ref, wg_ref, wu_ref, wd_ref, out_ref):
    i = pl.program_id(0)
    f = pl.program_id(1)
    tile = tile_ids[i]
    rows = tile * BM + jax.lax.broadcasted_iota(jnp.int32, (BM, 1), 0)
    mask = (rows >= row_start[i]) & (rows < row_end[i])
    w = jnp.where(mask, w_ref[...], 0.0)
    x = x_ref[...]
    g = jax.lax.dot_general(x, wg_ref[0], (((1,), (1,)), ((), ())),
                            preferred_element_type=jnp.float32)
    u = jax.lax.dot_general(x, wu_ref[0], (((1,), (1,)), ((), ())),
                            preferred_element_type=jnp.float32)
    h = (g * jax.nn.sigmoid(g)) * u * w
    hb = h.astype(jnp.bfloat16)
    o = jax.lax.dot_general(hb, wd_ref[0], (((1,), (0,)), ((), ())),
                            preferred_element_type=jnp.float32)
    prev_tile = tile_ids[jnp.maximum(i - 1, 0)]
    first = (f == 0) & ((i == 0) | (tile != prev_tile))

    @pl.when(first)
    def _():
        out_ref[...] = o

    @pl.when(jnp.logical_not(first))
    def _():
        out_ref[...] += o


def _shared_kernel(x_ref, sgw_ref, wg_ref, wu_ref, wd_ref, out_ref):
    f = pl.program_id(1)
    x = x_ref[...]
    sgate = jax.nn.sigmoid(jnp.sum(
        x.astype(jnp.float32) * sgw_ref[...].astype(jnp.float32),
        axis=1, keepdims=True))
    g = jax.lax.dot_general(x, wg_ref[...], (((1,), (1,)), ((), ())),
                            preferred_element_type=jnp.float32)
    u = jax.lax.dot_general(x, wu_ref[...], (((1,), (1,)), ((), ())),
                            preferred_element_type=jnp.float32)
    h = (g * jax.nn.sigmoid(g)) * u * sgate
    hb = h.astype(jnp.bfloat16)
    o = jax.lax.dot_general(hb, wd_ref[...], (((1,), (0,)), ((), ())),
                            preferred_element_type=jnp.float32)

    @pl.when(f == 0)
    def _():
        out_ref[...] = o

    @pl.when(f != 0)
    def _():
        out_ref[...] += o


def kernel(hidden_states, gate_w, expert_gate_w, expert_up_w, expert_down_w,
           shared_gate_w, shared_up_w, shared_down_w, shared_expert_gate_w):
    x = hidden_states.reshape(T, D)

    logits = x @ gate_w.T
    probs = jax.nn.softmax(logits.astype(jnp.float32), axis=1)
    wts, ids = jax.lax.top_k(probs, K)

    flat_e = ids.reshape(-1)
    order = jnp.argsort(flat_e, stable=True).astype(jnp.int32)
    token_sorted = order // K
    w_sorted = wts.reshape(-1)[order][:, None]

    sizes = jnp.bincount(flat_e, length=E).astype(jnp.int32)
    ends = jnp.cumsum(sizes)
    starts = ends - sizes
    t_first = starts // BM
    t_last = jnp.where(sizes > 0, (ends - 1) // BM, 0)
    visits = jnp.where(sizes > 0, t_last - t_first + 1, 0)
    vend = jnp.cumsum(visits)
    vstart = vend - visits
    total = vend[E - 1]
    slots = jnp.arange(V, dtype=jnp.int32)
    e_of = jnp.searchsorted(vend, slots, side='right').astype(jnp.int32)
    valid = slots < total
    e_cl = jnp.minimum(e_of, E - 1)
    tiles = t_first[e_cl] + (slots - vstart[e_cl])
    tile_ids = jnp.where(valid, tiles, NUM_TILES - 1).astype(jnp.int32)
    group_ids = e_cl
    row_start = jnp.where(valid, starts[e_cl], 1).astype(jnp.int32)
    row_end = jnp.where(valid, ends[e_cl], 0).astype(jnp.int32)

    x_bf = x.astype(jnp.bfloat16)
    x_sorted = jnp.take(x_bf, token_sorted, axis=0)
    egw = expert_gate_w.astype(jnp.bfloat16)
    euw = expert_up_w.astype(jnp.bfloat16)
    edw = expert_down_w.astype(jnp.bfloat16).transpose(0, 2, 1)

    out_sorted = pl.pallas_call(
        _gmm_kernel,
        grid_spec=pltpu.PrefetchScalarGridSpec(
            num_scalar_prefetch=4,
            grid=(V, NF),
            in_specs=[
                pl.BlockSpec((BM, D), lambda i, f, ti, gi, rs, re: (ti[i], 0)),
                pl.BlockSpec((BM, 1), lambda i, f, ti, gi, rs, re: (ti[i], 0)),
                pl.BlockSpec((1, BF, D), lambda i, f, ti, gi, rs, re: (gi[i], f, 0)),
                pl.BlockSpec((1, BF, D), lambda i, f, ti, gi, rs, re: (gi[i], f, 0)),
                pl.BlockSpec((1, BF, D), lambda i, f, ti, gi, rs, re: (gi[i], f, 0)),
            ],
            out_specs=pl.BlockSpec((BM, D), lambda i, f, ti, gi, rs, re: (ti[i], 0)),
        ),
        out_shape=jax.ShapeDtypeStruct((N, D), jnp.float32),
        compiler_params=pltpu.CompilerParams(
            dimension_semantics=("arbitrary", "arbitrary")),
    )(tile_ids, group_ids, row_start, row_end,
      x_sorted, w_sorted, egw, euw, edw)

    sgw = shared_gate_w.astype(jnp.bfloat16)
    suw = shared_up_w.astype(jnp.bfloat16)
    sdw = shared_down_w.astype(jnp.bfloat16).T
    segw = shared_expert_gate_w.astype(jnp.bfloat16)
    shared_out = pl.pallas_call(
        _shared_kernel,
        grid=(T // BMS, NFS),
        in_specs=[
            pl.BlockSpec((BMS, D), lambda m, f: (m, 0)),
            pl.BlockSpec((1, D), lambda m, f: (0, 0)),
            pl.BlockSpec((BFS, D), lambda m, f: (f, 0)),
            pl.BlockSpec((BFS, D), lambda m, f: (f, 0)),
            pl.BlockSpec((BFS, D), lambda m, f: (f, 0)),
        ],
        out_specs=pl.BlockSpec((BMS, D), lambda m, f: (m, 0)),
        out_shape=jax.ShapeDtypeStruct((T, D), jnp.float32),
        compiler_params=pltpu.CompilerParams(
            dimension_semantics=("arbitrary", "arbitrary")),
    )(x_bf, segw, sgw, suw, sdw)

    inv = jnp.argsort(order).astype(jnp.int32)
    pos = inv.reshape(T, K)
    final = (jnp.take(out_sorted, pos[:, 0], axis=0)
             + jnp.take(out_sorted, pos[:, 1], axis=0)
             + shared_out)
    return final.reshape(B, S, D), logits

# --- scband reference (transcript-rebuilt; emitter-appended) ---
"""Pipeline reference for scband-prunable-qwen-moe-sparse-moe-block-wrapper-69526930587814 (READ-ONLY COPY).

The authoritative reference and input builder live on the scoring server;
editing this copy changes nothing except your own understanding.
"""

import jax, jax.numpy as jnp
import numpy as np

B = 1
S = 2048
D_MODEL = 2048
NUM_EXPERTS = 8
TOP_K = 2
D_FF = 1408
SHARED_FF = 5632
NORM_TOPK_PROB = False


def setup_inputs(seed: int = 0) -> dict:
    key = jax.random.key(seed)
    ks = jax.random.split(key, 9)
    hidden_states = jax.random.normal(ks[0], (B, S, D_MODEL), dtype=jnp.float32)
    gate_w = jax.random.normal(ks[1], (NUM_EXPERTS, D_MODEL), dtype=jnp.float32) * 0.02
    expert_gate_w = jax.random.normal(ks[2], (NUM_EXPERTS, D_FF, D_MODEL), dtype=jnp.float32) * 0.02
    expert_up_w = jax.random.normal(ks[3], (NUM_EXPERTS, D_FF, D_MODEL), dtype=jnp.float32) * 0.02
    expert_down_w = jax.random.normal(ks[4], (NUM_EXPERTS, D_MODEL, D_FF), dtype=jnp.float32) * 0.02
    shared_gate_w = jax.random.normal(ks[5], (SHARED_FF, D_MODEL), dtype=jnp.float32) * 0.02
    shared_up_w = jax.random.normal(ks[6], (SHARED_FF, D_MODEL), dtype=jnp.float32) * 0.02
    shared_down_w = jax.random.normal(ks[7], (D_MODEL, SHARED_FF), dtype=jnp.float32) * 0.02
    shared_expert_gate_w = jax.random.normal(ks[8], (1, D_MODEL), dtype=jnp.float32) * 0.02
    return {
        "hidden_states": hidden_states,
        "gate_w": gate_w,
        "expert_gate_w": expert_gate_w,
        "expert_up_w": expert_up_w,
        "expert_down_w": expert_down_w,
        "shared_gate_w": shared_gate_w,
        "shared_up_w": shared_up_w,
        "shared_down_w": shared_down_w,
        "shared_expert_gate_w": shared_expert_gate_w,
    }


def reference(hidden_states, gate_w, expert_gate_w, expert_up_w, expert_down_w,
              shared_gate_w, shared_up_w, shared_down_w, shared_expert_gate_w):
    batch_size, sequence_length, hidden_dim = hidden_states.shape
    x = hidden_states.reshape(-1, hidden_dim)
    # router
    router_logits = x @ gate_w.T  # [T, E]
    routing_probs = jax.nn.softmax(router_logits.astype(jnp.float32), axis=1)
    top_k = min(TOP_K, routing_probs.shape[-1])
    routing_weights, selected_experts = jax.lax.top_k(routing_probs, top_k)  # [T, k]
    if NORM_TOPK_PROB:
        routing_weights = routing_weights / jnp.sum(routing_weights, axis=-1, keepdims=True)
    routing_weights = routing_weights.astype(x.dtype)
    # combine weight per (token, expert): equivalent to the torch per-expert gather/index_add loop
    onehot = jax.nn.one_hot(selected_experts, NUM_EXPERTS, dtype=x.dtype)  # [T, k, E]
    combine = jnp.einsum('tk,tke->te', routing_weights, onehot)  # [T, E]
    final = jnp.zeros_like(x)
    for e in range(NUM_EXPERTS):
        h = jax.nn.silu(x @ expert_gate_w[e].T) * (x @ expert_up_w[e].T)  # [T, D_FF]
        out_e = h @ expert_down_w[e].T  # [T, D]
        final = final + combine[:, e:e + 1] * out_e
    # shared expert + shared expert gate
    shared_h = jax.nn.silu(x @ shared_gate_w.T) * (x @ shared_up_w.T)
    shared_expert_output = shared_h @ shared_down_w.T
    shared_gate = jax.nn.sigmoid(x @ shared_expert_gate_w.T)  # [T, 1]
    final = final + shared_gate * shared_expert_output
    return final.reshape(batch_size, sequence_length, hidden_dim), router_logits

if __name__ == "__main__":
    import jax
    _d = setup_inputs()
    print(jax.jit(kernel)(*tuple(_d.values())))

</pallas_src>

<mosaic_0001>
module attributes {stable_mosaic.version = 14 : i64} {
  func.func @_gmm_kernel(%arg0: i32, %arg1: i32, %arg2: memref<23xi32, #tpu.memory_space<smem>>, %arg3: memref<23xi32, #tpu.memory_space<smem>>, %arg4: memref<23xi32, #tpu.memory_space<smem>>, %arg5: memref<23xi32, #tpu.memory_space<smem>>, %arg6: memref<256x2048xbf16, #tpu.memory_space<vmem>>, %arg7: memref<256x1xf32, #tpu.memory_space<vmem>>, %arg8: memref<1x704x2048xbf16, #tpu.memory_space<vmem>>, %arg9: memref<1x704x2048xbf16, #tpu.memory_space<vmem>>, %arg10: memref<1x704x2048xbf16, #tpu.memory_space<vmem>>, %arg11: memref<256x2048xf32, #tpu.memory_space<vmem>>) attributes {dimension_semantics = [#tpu.dimension_semantics<arbitrary>, #tpu.dimension_semantics<arbitrary>], iteration_bounds = array<i64: 23, 2>, scalar_prefetch = 4 : i64, scratch_operands = 0 : i64, tpu.core_type = #tpu.core_type<tc>, window_params = [{transform_indices = @transform_0, window_bounds = array<i64: 256, 2048>}, {transform_indices = @transform_1, window_bounds = array<i64: 256, 1>}, {transform_indices = @transform_2, window_bounds = array<i64: 1, 704, 2048>}, {transform_indices = @transform_3, window_bounds = array<i64: 1, 704, 2048>}, {transform_indices = @transform_4, window_bounds = array<i64: 1, 704, 2048>}, {transform_indices = @transform_5, window_bounds = array<i64: 256, 2048>}]} {
    %get3A = arith.index_cast %arg0 : i32 to index
    %get3A_0 = memref.load %arg2[%get3A] : memref<23xi32, #tpu.memory_space<smem>>
    %mul3A = arith.constant 256 : i32
    %mul3A_1 = arith.muli %get3A_0, %mul3A : i32
    %iota3A = tpu.iota {dimensions = array<i32: 0>} : vector<256x1xi32>
    %add3A = vector.broadcast %mul3A_1 : i32 to vector<256x1xi32>
    %add3A_2 = arith.addi %add3A, %iota3A : vector<256x1xi32>
    %get3A_3 = arith.index_cast %arg0 : i32 to index
    %get3A_4 = memref.load %arg4[%get3A_3] : memref<23xi32, #tpu.memory_space<smem>>
    %ge3A = vector.broadcast %get3A_4 : i32 to vector<256x1xi32>
    %ge3A_5 = arith.cmpi sge, %add3A_2, %ge3A : vector<256x1xi32>
    %get3A_6 = arith.index_cast %arg0 : i32 to index
    %get3A_7 = memref.load %arg5[%get3A_6] : memref<23xi32, #tpu.memory_space<smem>>
    %lt3A = vector.broadcast %get3A_7 : i32 to vector<256x1xi32>
    %lt3A_8 = arith.cmpi slt, %add3A_2, %lt3A : vector<256x1xi32>
    %and3A = arith.andi %ge3A_5, %lt3A_8 : vector<256x1xi1>
    %get3A_9 = arith.constant 0 : index
    %get3A_10 = arith.constant 0 : index
    %get3A_11 = vector.load %arg7[%get3A_9, %get3A_10] : memref<256x1xf32, #tpu.memory_space<vmem>>, vector<256x1xf32>
    %jit3A = arith.constant 0.000000e+00 : f32
    %broadcast_in_dim3A = vector.broadcast %jit3A : f32 to vector<256x1xf32>
    %select_n3A = arith.select %and3A, %get3A_11, %broadcast_in_dim3A : vector<256x1xi1>, vector<256x1xf32>
    %get3A_12 = arith.constant 0 : index
    %get3A_13 = arith.constant 0 : index
    %get3A_14 = vector.load %arg6[%get3A_12, %get3A_13] : memref<256x2048xbf16, #tpu.memory_space<vmem>>, vector<256x2048xbf16>
    %get3A_15 = arith.constant 0 : index
    %get3A_16 = arith.constant 0 : index
    %get3A_17 = arith.constant 0 : index
    %get3A_18 = vector.load %arg8[%get3A_15, %get3A_16, %get3A_17] : memref<1x704x2048xbf16, #tpu.memory_space<vmem>>, vector<1x704x2048xbf16>
    %get3A_19 = vector.shape_cast %get3A_18 : vector<1x704x2048xbf16> to vector<704x2048xbf16>
    %dot_general3A = arith.constant dense<0.000000e+00> : vector<256x704xf32>
    %dot_general3A_20 = tpu.matmul %get3A_14, %get3A_19, %dot_general3A {dimension_numbers = #tpu.dot_dimension_numbers<[1], [1], [0], [0], [0, 0, 1, 0], [], []>, transpose_lhs_hint = false} : vector<256x2048xbf16>, vector<704x2048xbf16>, vector<256x704xf32> -> vector<256x704xf32>
    %get3A_21 = arith.constant 0 : index
    %get3A_22 = arith.constant 0 : index
    %get3A_23 = arith.constant 0 : index
    %get3A_24 = vector.load %arg9[%get3A_21, %get3A_22, %get3A_23] : memref<1x704x2048xbf16, #tpu.memory_space<vmem>>, vector<1x704x2048xbf16>
    %get3A_25 = vector.shape_cast %get3A_24 : vector<1x704x2048xbf16> to vector<704x2048xbf16>
    %dot_general3A_26 = arith.constant dense<0.000000e+00> : vector<256x704xf32>
    %dot_general3A_27 = tpu.matmul %get3A_14, %get3A_25, %dot_general3A_26 {dimension_numbers = #tpu.dot_dimension_numbers<[1], [1], [0], [0], [0, 0, 1, 0], [], []>, transpose_lhs_hint = false} : vector<256x2048xbf16>, vector<704x2048xbf16>, vector<256x704xf32> -> vector<256x704xf32>
    %logistic3A = arith.negf %dot_general3A_20 : vector<256x704xf32>
    %logistic3A_28 = math.exp %logistic3A : vector<256x704xf32>
    %logistic3A_29 = arith.constant 1.000000e+00 : f32
    %logistic3A_30 = vector.broadcast %logistic3A_29 : f32 to vector<256x704xf32>
    %logistic3A_31 = arith.addf %logistic3A_30, %logistic3A_28 : vector<256x704xf32>
    %logistic3A_32 = arith.divf %logistic3A_30, %logistic3A_31 : vector<256x704xf32>
    %mul3A_33 = arith.mulf %dot_general3A_20, %logistic3A_32 : vector<256x704xf32>
    %mul3A_34 = arith.mulf %mul3A_33, %dot_general3A_27 : vector<256x704xf32>
    %mul3A_35 = vector.broadcast %select_n3A : vector<256x1xf32> to vector<256x704xf32>
    %mul3A_36 = arith.mulf %mul3A_34, %mul3A_35 : vector<256x704xf32>
    %convert_element_type3A = arith.truncf %mul3A_36 : vector<256x704xf32> to vector<256x704xbf16>
    %get3A_37 = arith.constant 0 : index
    %get3A_38 = arith.constant 0 : index
    %get3A_39 = arith.constant 0 : index
    %get3A_40 = vector.load %arg10[%get3A_37, %get3A_38, %get3A_39] : memref<1x704x2048xbf16, #tpu.memory_space<vmem>>, vector<1x704x2048xbf16>
    %get3A_41 = vector.shape_cast %get3A_40 : vector<1x704x2048xbf16> to vector<704x2048xbf16>
    %dot_general3A_42 = arith.constant dense<0.000000e+00> : vector<256x2048xf32>
    %dot_general3A_43 = tpu.matmul %convert_element_type3A, %get3A_41, %dot_general3A_42 {dimension_numbers = #tpu.dot_dimension_numbers<[1], [0], [0], [1], [0, 0, 1, 1], [], []>, transpose_lhs_hint = false} : vector<256x704xbf16>, vector<704x2048xbf16>, vector<256x2048xf32> -> vector<256x2048xf32>
    %sub3A = arith.constant 1 : i32
    %sub3A_44 = arith.subi %arg0, %sub3A : i32
    %max3A = arith.constant 0 : i32
    %max3A_45 = arith.maxsi %sub3A_44, %max3A : i32
    %get3A_46 = arith.index_cast %max3A_45 : i32 to index
    %get3A_47 = memref.load %arg2[%get3A_46] : memref<23xi32, #tpu.memory_space<smem>>
    %eq3A = arith.constant 0 : i32
    %eq3A_48 = arith.cmpi eq, %arg1, %eq3A : i32
    %eq3A_49 = arith.constant 0 : i32
    %eq3A_50 = arith.cmpi eq, %arg0, %eq3A_49 : i32
    %ne3A = arith.cmpi ne, %get3A_0, %get3A_47 : i32
    %or3A = arith.ori %eq3A_50, %ne3A : i1
    %and3A_51 = arith.andi %eq3A_48, %or3A : i1
    %convert_element_type3A_52 = arith.extui %and3A_51 : i1 to i32
    %cond3A = arith.constant 0 : i32
    %cond3A_53 = arith.cmpi ne, %convert_element_type3A_52, %cond3A : i32
    scf.if %cond3A_53 {
      %swap3A = arith.constant 0 : index
      %swap3A_58 = arith.constant 0 : index
      %swap3A_59 = vector.load %arg11[%swap3A, %swap3A_58] : memref<256x2048xf32, #tpu.memory_space<vmem>>, vector<256x2048xf32>
      tpu.vector_store %arg11[%swap3A, %swap3A_58], %dot_general3A_43 {strides = array<i32>} : memref<256x2048xf32, #tpu.memory_space<vmem>>, vector<256x2048xf32>,
    } else {
    }
    %not3A = arith.constant true
    %not3A_54 = arith.xori %and3A_51, %not3A : i1
    %convert_element_type3A_55 = arith.extui %not3A_54 : i1 to i32
    %cond3A_56 = arith.constant 0 : i32
    %cond3A_57 = arith.cmpi ne, %convert_element_type3A_55, %cond3A_56 : i32
    scf.if %cond3A_57 {
      %get3A_58 = arith.constant 0 : index
      %get3A_59 = arith.constant 0 : index
      %get3A_60 = vector.load %arg11[%get3A_58, %get3A_59] : memref<256x2048xf32, #tpu.memory_space<vmem>>, vector<256x2048xf32>
      %add3A_61 = arith.addf %get3A_60, %dot_general3A_43 : vector<256x2048xf32>
      %swap3A = arith.constant 0 : index
      %swap3A_62 = arith.constant 0 : index
      %swap3A_63 = vector.load %arg11[%swap3A, %swap3A_62] : memref<256x2048xf32, #tpu.memory_space<vmem>>, vector<256x2048xf32>
      tpu.vector_store %arg11[%swap3A, %swap3A_62], %add3A_61 {strides = array<i32>} : memref<256x2048xf32, #tpu.memory_space<vmem>>, vector<256x2048xf32>,
    } else {
    }
    return
  }
  func.func @transform_0(%arg0: i32, %arg1: i32, %arg2: memref<23xi32, #tpu.memory_space<smem>>, %arg3: memref<23xi32, #tpu.memory_space<smem>>, %arg4: memref<23xi32, #tpu.memory_space<smem>>, %arg5: memref<23xi32, #tpu.memory_space<smem>>) -> (i32, i32) {
    %get3A = arith.index_cast %arg0 : i32 to index
    %get3A_0 = memref.load %arg2[%get3A] : memref<23xi32, #tpu.memory_space<smem>>
    %c0_i32 = arith.constant 0 : i32
    %c0_i32_1 = arith.constant 0 : i32
    return %get3A_0, %c0_i32 : i32, i32
  }
  func.func @transform_1(%arg0: i32, %arg1: i32, %arg2: memref<23xi32, #tpu.memory_space<smem>>, %arg3: memref<23xi32, #tpu.memory_space<smem>>, %arg4: memref<23xi32, #tpu.memory_space<smem>>, %arg5: memref<23xi32, #tpu.memory_space<smem>>) -> (i32, i32) {
    %get3A = arith.index_cast %arg0 : i32 to index
    %get3A_0 = memref.load %arg2[%get3A] : memref<23xi32, #tpu.memory_space<smem>>
    %c0_i32 = arith.constant 0 : i32
    %c0_i32_1 = arith.constant 0 : i32
    return %get3A_0, %c0_i32 : i32, i32
  }
  func.func @transform_2(%arg0: i32, %arg1: i32, %arg2: memref<23xi32, #tpu.memory_space<smem>>, %arg3: memref<23xi32, #tpu.memory_space<smem>>, %arg4: memref<23xi32, #tpu.memory_space<smem>>, %arg5: memref<23xi32, #tpu.memory_space<smem>>) -> (i32, i32, i32) {
    %get3A = arith.index_cast %arg0 : i32 to index
    %get3A_0 = memref.load %arg3[%get3A] : memref<23xi32, #tpu.memory_space<smem>>
    %c0_i32 = arith.constant 0 : i32
    %c0_i32_1 = arith.constant 0 : i32
    return %get3A_0, %arg1, %c0_i32 : i32, i32, i32
  }
  func.func @transform_3(%arg0: i32, %arg1: i32, %arg2: memref<23xi32, #tpu.memory_space<smem>>, %arg3: memref<23xi32, #tpu.memory_space<smem>>, %arg4: memref<23xi32, #tpu.memory_space<smem>>, %arg5: memref<23xi32, #tpu.memory_space<smem>>) -> (i32, i32, i32) {
    %get3A = arith.index_cast %arg0 : i32 to index
    %get3A_0 = memref.load %arg3[%get3A] : memref<23xi32, #tpu.memory_space<smem>>
    %c0_i32 = arith.constant 0 : i32
    %c0_i32_1 = arith.constant 0 : i32
    return %get3A_0, %arg1, %c0_i32 : i32, i32, i32
  }
  func.func @transform_4(%arg0: i32, %arg1: i32, %arg2: memref<23xi32, #tpu.memory_space<smem>>, %arg3: memref<23xi32, #tpu.memory_space<smem>>, %arg4: memref<23xi32, #tpu.memory_space<smem>>, %arg5: memref<23xi32, #tpu.memory_space<smem>>) -> (i32, i32, i32) {
    %get3A = arith.index_cast %arg0 : i32 to index
    %get3A_0 = memref.load %arg3[%get3A] : memref<23xi32, #tpu.memory_space<smem>>
    %c0_i32 = arith.constant 0 : i32
    %c0_i32_1 = arith.constant 0 : i32
    return %get3A_0, %arg1, %c0_i32 : i32, i32, i32
  }
  func.func @transform_5(%arg0: i32, %arg1: i32, %arg2: memref<23xi32, #tpu.memory_space<smem>>, %arg3: memref<23xi32, #tpu.memory_space<smem>>, %arg4: memref<23xi32, #tpu.memory_space<smem>>, %arg5: memref<23xi32, #tpu.memory_space<smem>>) -> (i32, i32) {
    %get3A = arith.index_cast %arg0 : i32 to index
    %get3A_0 = memref.load %arg2[%get3A] : memref<23xi32, #tpu.memory_space<smem>>
    %c0_i32 = arith.constant 0 : i32
    %c0_i32_1 = arith.constant 0 : i32
    return %get3A_0, %c0_i32 : i32, i32
  }
}

module attributes {stable_mosaic.version = 14 : i64} {
  func.func @_shared_kernel(%arg0: i32, %arg1: i32, %arg2: memref<512x2048xbf16, #tpu.memory_space<vmem>>, %arg3: memref<1x2048xbf16, #tpu.memory_space<vmem>>, %arg4: memref<704x2048xbf16, #tpu.memory_space<vmem>>, %arg5: memref<704x2048xbf16, #tpu.memory_space<vmem>>, %arg6: memref<704x2048xbf16, #tpu.memory_space<vmem>>, %arg7: memref<512x2048xf32, #tpu.memory_space<vmem>>) attributes {dimension_semantics = [#tpu.dimension_semantics<arbitrary>, #tpu.dimension_semantics<arbitrary>], iteration_bounds = array<i64: 4, 8>, scalar_prefetch = 0 : i64, scratch_operands = 0 : i64, tpu.core_type = #tpu.core_type<tc>, window_params = [{transform_indices = @transform_0, window_bounds = array<i64: 512, 2048>}, {pipeline_mode = #tpu.pipeline_mode<synchronous>, transform_indices = @transform_1, window_bounds = array<i64: 1, 2048>}, {transform_indices = @transform_2, window_bounds = array<i64: 704, 2048>}, {transform_indices = @transform_3, window_bounds = array<i64: 704, 2048>}, {transform_indices = @transform_4, window_bounds = array<i64: 704, 2048>}, {transform_indices = @transform_5, window_bounds = array<i64: 512, 2048>}]} {
    %get3A = arith.constant 0 : index
    %get3A_0 = arith.constant 0 : index
    %get3A_1 = vector.load %arg2[%get3A, %get3A_0] : memref<512x2048xbf16, #tpu.memory_space<vmem>>, vector<512x2048xbf16>
    %convert_element_type3A = arith.extf %get3A_1 : vector<512x2048xbf16> to vector<512x2048xf32>
    %get3A_2 = arith.constant 0 : index
    %get3A_3 = arith.constant 0 : index
    %get3A_4 = vector.load %arg3[%get3A_2, %get3A_3] : memref<1x2048xbf16, #tpu.memory_space<vmem>>, vector<1x2048xbf16>
    %convert_element_type3A_5 = arith.extf %get3A_4 : vector<1x2048xbf16> to vector<1x2048xf32>
    %mul3A = vector.broadcast %convert_element_type3A_5 : vector<1x2048xf32> to vector<512x2048xf32>
    %mul3A_6 = arith.mulf %convert_element_type3A, %mul3A : vector<512x2048xf32>
    %reduce_sum3A = arith.constant dense<0.000000e+00> : vector<512xf32>
    %reduce_sum3A_7 = vector.multi_reduction <add>, %mul3A_6, %reduce_sum3A [1] : vector<512x2048xf32> to vector<512xf32>
    %broadcast_in_dim3A = vector.shape_cast %reduce_sum3A_7 : vector<512xf32> to vector<512x1xf32>
    %logistic3A = arith.negf %broadcast_in_dim3A : vector<512x1xf32>
    %logistic3A_8 = math.exp %logistic3A : vector<512x1xf32>
    %logistic3A_9 = arith.constant 1.000000e+00 : f32
    %logistic3A_10 = vector.broadcast %logistic3A_9 : f32 to vector<512x1xf32>
    %logistic3A_11 = arith.addf %logistic3A_10, %logistic3A_8 : vector<512x1xf32>
    %logistic3A_12 = arith.divf %logistic3A_10, %logistic3A_11 : vector<512x1xf32>
    %get3A_13 = arith.constant 0 : index
    %get3A_14 = arith.constant 0 : index
    %get3A_15 = vector.load %arg4[%get3A_13, %get3A_14] : memref<704x2048xbf16, #tpu.memory_space<vmem>>, vector<704x2048xbf16>
    %dot_general3A = arith.constant dense<0.000000e+00> : vector<512x704xf32>
    %dot_general3A_16 = tpu.matmul %get3A_1, %get3A_15, %dot_general3A {dimension_numbers = #tpu.dot_dimension_numbers<[1], [1], [0], [0], [0, 0, 1, 0], [], []>, transpose_lhs_hint = false} : vector<512x2048xbf16>, vector<704x2048xbf16>, vector<512x704xf32> -> vector<512x704xf32>
    %get3A_17 = arith.constant 0 : index
    %get3A_18 = arith.constant 0 : index
    %get3A_19 = vector.load %arg5[%get3A_17, %get3A_18] : memref<704x2048xbf16, #tpu.memory_space<vmem>>, vector<704x2048xbf16>
    %dot_general3A_20 = arith.constant dense<0.000000e+00> : vector<512x704xf32>
    %dot_general3A_21 = tpu.matmul %get3A_1, %get3A_19, %dot_general3A_20 {dimension_numbers = #tpu.dot_dimension_numbers<[1], [1], [0], [0], [0, 0, 1, 0], [], []>, transpose_lhs_hint = false} : vector<512x2048xbf16>, vector<704x2048xbf16>, vector<512x704xf32> -> vector<512x704xf32>
    %logistic3A_22 = arith.negf %dot_general3A_16 : vector<512x704xf32>
    %logistic3A_23 = math.exp %logistic3A_22 : vector<512x704xf32>
    %logistic3A_24 = arith.constant 1.000000e+00 : f32
    %logistic3A_25 = vector.broadcast %logistic3A_24 : f32 to vector<512x704xf32>
    %logistic3A_26 = arith.addf %logistic3A_25, %logistic3A_23 : vector<512x704xf32>
    %logistic3A_27 = arith.divf %logistic3A_25, %logistic3A_26 : vector<512x704xf32>
    %mul3A_28 = arith.mulf %dot_general3A_16, %logistic3A_27 : vector<512x704xf32>
    %mul3A_29 = arith.mulf %mul3A_28, %dot_general3A_21 : vector<512x704xf32>
    %mul3A_30 = vector.broadcast %logistic3A_12 : vector<512x1xf32> to vector<512x704xf32>
    %mul3A_31 = arith.mulf %mul3A_29, %mul3A_30 : vector<512x704xf32>
    %convert_element_type3A_32 = arith.truncf %mul3A_31 : vector<512x704xf32> to vector<512x704xbf16>
    %get3A_33 = arith.constant 0 : index
    %get3A_34 = arith.constant 0 : index
    %get3A_35 = vector.load %arg6[%get3A_33, %get3A_34] : memref<704x2048xbf16, #tpu.memory_space<vmem>>, vector<704x2048xbf16>
    %dot_general3A_36 = arith.constant dense<0.000000e+00> : vector<512x2048xf32>
    %dot_general3A_37 = tpu.matmul %convert_element_type3A_32, %get3A_35, %dot_general3A_36 {dimension_numbers = #tpu.dot_dimension_numbers<[1], [0], [0], [1], [0, 0, 1, 1], [], []>, transpose_lhs_hint = false} : vector<512x704xbf16>, vector<704x2048xbf16>, vector<512x2048xf32> -> vector<512x2048xf32>
    %eq3A = arith.constant 0 : i32
    %eq3A_38 = arith.cmpi eq, %arg1, %eq3A : i32
    %convert_element_type3A_39 = arith.extui %eq3A_38 : i1 to i32
    %cond3A = arith.constant 0 : i32
    %cond3A_40 = arith.cmpi ne, %convert_element_type3A_39, %cond3A : i32
    scf.if %cond3A_40 {
      %swap3A = arith.constant 0 : index
      %swap3A_45 = arith.constant 0 : index
      %swap3A_46 = vector.load %arg7[%swap3A, %swap3A_45] : memref<512x2048xf32, #tpu.memory_space<vmem>>, vector<512x2048xf32>
      tpu.vector_store %arg7[%swap3A, %swap3A_45], %dot_general3A_37 {strides = array<i32>} : memref<512x2048xf32, #tpu.memory_space<vmem>>, vector<512x2048xf32>,
    } else {
    }
    %ne3A = arith.constant 0 : i32
    %ne3A_41 = arith.cmpi ne, %arg1, %ne3A : i32
    %convert_element_type3A_42 = arith.extui %ne3A_41 : i1 to i32
    %cond3A_43 = arith.constant 0 : i32
    %cond3A_44 = arith.cmpi ne, %convert_element_type3A_42, %cond3A_43 : i32
    scf.if %cond3A_44 {
      %get3A_45 = arith.constant 0 : index
      %get3A_46 = arith.constant 0 : index
      %get3A_47 = vector.load %arg7[%get3A_45, %get3A_46] : memref<512x2048xf32, #tpu.memory_space<vmem>>, vector<512x2048xf32>
      %add3A = arith.addf %get3A_47, %dot_general3A_37 : vector<512x2048xf32>
      %swap3A = arith.constant 0 : index
      %swap3A_48 = arith.constant 0 : index
      %swap3A_49 = vector.load %arg7[%swap3A, %swap3A_48] : memref<512x2048xf32, #tpu.memory_space<vmem>>, vector<512x2048xf32>
      tpu.vector_store %arg7[%swap3A, %swap3A_48], %add3A {strides = array<i32>} : memref<512x2048xf32, #tpu.memory_space<vmem>>, vector<512x2048xf32>,
    } else {
    }
    return
  }
  func.func @transform_0(%arg0: i32, %arg1: i32) -> (i32, i32) {
    %c0_i32 = arith.constant 0 : i32
    %c0_i32_0 = arith.constant 0 : i32
    return %arg0, %c0_i32 : i32, i32
  }
  func.func @transform_1(%arg0: i32, %arg1: i32) -> (i32, i32) {
    %c0_i32 = arith.constant 0 : i32
    %c0_i32_0 = arith.constant 0 : i32
    %c0_i32_1 = arith.constant 0 : i32
    return %c0_i32, %c0_i32_0 : i32, i32
  }
  func.func @transform_2(%arg0: i32, %arg1: i32) -> (i32, i32) {
    %c0_i32 = arith.constant 0 : i32
    %c0_i32_0 = arith.constant 0 : i32
    return %arg1, %c0_i32 : i32, i32
  }
  func.func @transform_3(%arg0: i32, %arg1: i32) -> (i32, i32) {
    %c0_i32 = arith.constant 0 : i32
    %c0_i32_0 = arith.constant 0 : i32
    return %arg1, %c0_i32 : i32, i32
  }
  func.func @transform_4(%arg0: i32, %arg1: i32) -> (i32, i32) {
    %c0_i32 = arith.constant 0 : i32
    %c0_i32_0 = arith.constant 0 : i32
    return %arg1, %c0_i32 : i32, i32
  }
  func.func @transform_5(%arg0: i32, %arg1: i32) -> (i32, i32) {
    %c0_i32 = arith.constant 0 : i32
    %c0_i32_0 = arith.constant 0 : i32
    return %arg0, %c0_i32 : i32, i32
  }
}

</mosaic_0001>

<sc_bundles>
// kernel: gather_offload_async_start.1
scs
__scs_entry_jumppad:
0x0: {  	(pc) =	sbr.rel $0x88, $3  }
0x1: {  	(tag) =	ssettag $0x0;
	lr =	simm.s32 $0x1  }
0x2: {  	[smem:$0x3F98] =	sst lr;
	_ =	strace $0xD0000000  }
0x3: {  	_ = 	snop  }
0x4: {  	_ = 	snop  }
0x5: {  	_ = 	snop  }
0x6: {  	_ = 	snop  }
0x7: {  	_ = 	snop  }
__scs_overlays_trampoline_lowered:
0x8: {  	[smem:$0x3FA7] =	sst s0  }
0x9: {  	[smem:$0x3FA8] =	sst s1  }
0xa: {  	[smem:$0x3FA9] =	sst s2  }
0xb: {  	[smem:$0x3FAA] =	sst s3  }
0xc: {  	[smem:$0x3FAB] =	sst s4  }
0xd: {  	[smem:$0x3FAC] =	sst s5  }
0xe: {  	[smem:$0x3FAD] =	sst s6  }
0xf: {  	[smem:$0x3FAE] =	sst s7  }
0x10: {  	[smem:$0x3FAF] =	sst s8  }
0x11: {  	[smem:$0x3FB0] =	sst s9;
	s0 =	simm.s32 @!p0 $0x0  }
0x12: {  	s1 =	sld [smem:$0x3F96];
	s0 =	simm.s32 @p0 $0x1  }
0x13: {  	[smem:$0x3FB1] =	sst s0;
	s0 =	simm.s32 @!p1 $0x0  }
0x14: {  	s2 =	sld [smem:$0x3F95];
	s0 =	simm.s32 @p1 $0x1  }
0x15: {  	[smem:$0x3FB2] =	sst s0;
	s0 =	simm.s32 @!p2 $0x0  }
0x16: {  	s3 =	sld [smem:$0x3FDB];
	s0 =	simm.s32 @p2 $0x1  }
0x17: {  	s4 =	simm.s32 $0x1BF5;
	[smem:$0x3FB4] =	sst s0  }
0x18: {  	s0 =	sld [smem:$0x3F97];
	_ =	swait.ge [sflag:s4], $0x0  }
0x19: {  	s7 =	sld [smem:$0x3F98]  }
0x1a: {  	s8 =	sadd.s32 $0xFFFFE003, lr  }
0x1b: {  	s9 =	sadd.s32 $0xFFFFFEF7, lr;
	s5 =	simm.s32 $0xFFFFFFFF;
	p2 =	slt.u32 s8, $0xFFFFF086  }
0x1c: {  	p1 =	slt.u32 s9, $0xF7A;
	s5 =	simm.s32 @!p2 $0x0  }
0x1d: {  	s5 =	simm.s32 @p1 $0x1;
	p0 =	seq.s32 s7, s2  }
0x1e: {  	s7 =	smul.u32 @!p0 $0xF7A, s2;
	p2 =	seq.s32 @!p0 s5, $0x0  }
0x1f: {  	s9 =	smul.u32 $0xF7A, s1;
	s8 =	simm.s32 @!p0 $0x1BF5;
	p2 =	por !p2, p0  }
0x20: {  	[sflag:s8] =	ssyncset.s32 @!p0 $0xFFFFF086;
	s6 =	sadd.s32 @!p0 s3, s7;
	s7 =	simm.s32 @!p0 $0x108  }
0x21: {  	s3 =	sadd.s32 s3, s9;
	s6 =	sadd.s32 @!p0 $0x88, s6;
	s7 =	simm.s32 @p2 $0x1082  }
0x22: {  	[simem:s7], [sflag:s8] =	dma.local @!p0 [hbm:s6], $0xF7A  }
0x23: {  	s9 =	sor.u32 $0xD0000000, s2;
	s6 =	simm.s32 $0x108;
	_ =	swait.ge @!p0 [sflag:s8], $0x0  }
0x24: {  	s3 =	sadd.s32 $0x88, s3;
	s6 =	simm.s32 @!p1 $0x1082;
	[sflag:s4] =	ssyncset.s32 $0xFFFFF086  }
0x25: {  	[simem:s6], [sflag:s4] =	dma.local [hbm:s3], $0xF7A  }
0x26: {  	[smem:$0x3F98] =	sst s1;
	(tag) =	ssettag s2;
	_ =	strace s9  }
0x27: {  	s1 =	sld [smem:$0x3FA8]  }
0x28: {  	s2 =	sld [smem:$0x3FA9]  }
0x29: {  	s4 =	sld [smem:$0x3FAB]  }
0x2a: {  	p0 =	seq.s32 s5, $0x0;
	s5 =	sld [smem:$0x3FAC]  }
0x2b: {  	s6 =	sld [smem:$0x3FAD]  }
0x2c: {  	s7 =	sld [smem:$0x3FAE]  }
0x2d: {  	s3 =	simm.s32 $0x108;
	s8 =	sld [smem:$0x3FAF]  }
0x2e: {  	s3 =	simm.s32 @!p0 $0x1082;
	s9 =	sld [smem:$0x3FB0]  }
0x2f: {  	lr =	sadd.s32 s0, s3;
	s0 =	sld [smem:$0x3FA7]  }
0x30: {  	s3 =	sld [smem:$0x3FAA]  }
0x31: {  	[smem:$0x3FB3] =	sst s10  }
0x32: {  	s10 =	sld [smem:$0x3FB1];
	_ =	sdelay $0x3  }
0x33: {  	p0 =	seq.s32 s10, $0x1;
	s10 =	sld [smem:$0x3FB3];
	_ =	sdelay $0x3  }
0x34: {  	[smem:$0x3FB3] =	sst s10  }
0x35: {  	s10 =	sld [smem:$0x3FB2];
	_ =	sdelay $0x3  }
0x36: {  	p1 =	seq.s32 s10, $0x1;
	s10 =	sld [smem:$0x3FB3];
	_ =	sdelay $0x3  }
0x37: {  	[smem:$0x3FB3] =	sst s10  }
0x38: {  	s10 =	sld [smem:$0x3FB4]  }
0x39: {  	_ = 	snop;
	(pc) =	sbr.ind lr, $3  }
0x3a: {  	_ = 	snop  }
0x3b: {  	_ = 	snop  }
0x3c: {  	p2 =	seq.s32 s10, $0x1;
	s10 =	sld [smem:$0x3FB3]  }
0x3d: {  	_ =	shalt  }
0x3e: {  	_ =	shalt  }
0x3f: {  	_ =	shalt  }
0x40: {  	_ =	shalt  }
0x41: {  	_ =	shalt  }
0x42: {  	_ =	shalt  }
0x43: {  	_ =	shalt  }
0x44: {  	_ =	shalt  }
0x45: {  	_ =	shalt  }
0x46: {  	_ =	shalt  }
0x47: {  	_ =	shalt  }
0x48: {  	_ =	shalt  }
0x49: {  	_ =	shalt  }
0x4a: {  	_ =	shalt  }
0x4b: {  	_ =	shalt  }
0x4c: {  	_ =	shalt  }
0x4d: {  	_ =	shalt  }
0x4e: {  	_ =	shalt  }
0x4f: {  	_ =	shalt  }
0x50: {  	_ =	shalt  }
0x51: {  	_ =	shalt  }
0x52: {  	_ =	shalt  }
0x53: {  	_ =	shalt  }
0x54: {  	_ =	shalt  }
0x55: {  	_ =	shalt  }
0x56: {  	_ =	shalt  }
0x57: {  	_ =	shalt  }
0x58: {  	_ =	shalt  }
0x59: {  	_ =	shalt  }
0x5a: {  	_ =	shalt  }
0x5b: {  	_ =	shalt  }
0x5c: {  	_ =	shalt  }
0x5d: {  	_ =	shalt  }
0x5e: {  	_ =	shalt  }
0x5f: {  	_ =	shalt  }
0x60: {  	_ =	shalt  }
0x61: {  	_ =	shalt  }
0x62: {  	_ =	shalt  }
0x63: {  	_ =	shalt  }
0x64: {  	_ =	shalt  }
0x65: {  	_ =	shalt  }
0x66: {  	_ =	shalt  }
0x67: {  	_ =	shalt  }
0x68: {  	_ =	shalt  }
0x69: {  	_ =	shalt  }
0x6a: {  	_ =	shalt  }
0x6b: {  	_ =	shalt  }
0x6c: {  	_ =	shalt  }
0x6d: {  	_ =	shalt  }
0x6e: {  	_ =	shalt  }
0x6f: {  	_ =	shalt  }
0x70: {  	_ =	shalt  }
0x71: {  	_ =	shalt  }
0x72: {  	_ =	shalt  }
0x73: {  	_ =	shalt  }
0x74: {  	_ =	shalt  }
0x75: {  	_ =	shalt  }
0x76: {  	_ =	shalt  }
0x77: {  	_ =	shalt  }
0x78: {  	_ =	shalt  }
0x79: {  	_ =	shalt  }
0x7a: {  	_ =	shalt  }
0x7b: {  	_ =	shalt  }
0x7c: {  	_ =	shalt  }
0x7d: {  	_ =	shalt  }
0x7e: {  	_ =	shalt  }
0x7f: {  	_ =	shalt  }
0x80: {  	_ =	shalt  }
0x81: {  	_ =	shalt  }
0x82: {  	_ =	shalt  }
0x83: {  	_ =	shalt  }
0x84: {  	_ =	shalt  }
0x85: {  	_ =	shalt  }
0x86: {  	_ =	shalt  }
0x87: {  	_ =	shalt  }
.Lfunc_end0:
.L_simem_size_0:
called_computation.2_lowered:
.L_overlay_start_0:
0x88: {  	s2 =	sld [smem:$0x3FD9]  }
0x89: {  	s3 =	sld [smem:$0x3FFE];
	_ =	sdelay $0x1  }
0x8a: {  	s1 =	srdreg.scid  }
0x8b: {  	s0 =	sand.u32 $0x1, s1  }
0x8c: {  	s16 =	sshll.u32 s0, $0xA;
	s2 =	sadd.s32 s3, s2  }
0x8d: {  	s2 =	sadd.s32 s2, s16  }
0x8e: {  	[smem:$0x3FBF] =	sst s2  }
0x8f: {  	_ = 	snop  }
0x90: {  	(tm) =	ssettm $0x1  }
0x91: {  	s17 =	sld [smem:$0x3FFB];
	_ =	sdelay $0x3  }
0x92: {  	_ =	strace s17  }
0x93: {  	s2 =	sld [smem:$0x3FFC];
	_ =	sdelay $0x3  }
0x94: {  	_ =	strace s2  }
0x95: {  	s2 =	sld [smem:$0x3FFD];
	_ =	sdelay $0x3  }
0x96: {  	_ =	strace s2  }
0x97: {  	_ =	strace $0x8FFFFFFF  }
0x98: {  	s18 =	sld [smem:$0x3FDB];
	_ =	sdelay $0x1  }
0x99: {  	s19 =	simm.s32 $_scs_section_size  }
0x9a: {  	s4 =	simm.s32 $_size__tile_overlayer_lowered;
	s5 =	simm.s32 $_tile_overlayer_lowered  }
0x9b: {  	s22 =	simm.s32 $0x1BFF;
	s21 =	sshll.u32 s5, $0x1;
	s2 =	sadd.s32 s19, s18  }
0x9c: {  	s6 =	simm.s32 $0x0;
	s20 =	sshll.u32 s4, $0x1;
	s4 =	sadd.s32 s21, s2  }
0x9d: {  	[timem:s6], [sflag:s22] =	dma.local [hbm:s4], s20  }
0x9e: {  	_ =	swait.ge [sflag:s22], s20  }
0x9f: {  	s3 =	ssub.s32 $0x0, s20;
	[sflag:s22] =	ssyncset.done $0x0  }
0xa0: {  	[sflag:s22] =	ssyncadd.s32 s3;
	_ =	sdelay $0x1  }
0xa1: {  	s23 =	simm.s32 $0x1B8B  }
0xa2: {  	_ =	swait.ge [sflag:s23], $0x1  }
0xa3: {  	[sflag:s23] =	ssyncset.done $0x0  }
0xa4: {  	s25 =	simm.s32 $0x1B8E;
	s24 =	sld [smem:$0x3FFE];
	[sflag:s23] =	ssyncadd.s32 $0xFFFFFFFF  }
0xa5: {  	s26 =	simm.s32 $execute0_lowered;
	[smem:$0x3FD2] =	sst s25  }
0xa6: {  	s4 =	sshll.u32 s26, $0x1;
	_ =	strace $0x8000004C;
	[dreg:$0x1] =	wrdreg $0xFFFFFFFF  }
0xa7: {  	s28 =	simm.s32 $_size_execute0_lowered;
	s2 =	sadd.s32 s2, s4;
	[dreg:$0x0] =	wrdreg $0x0  }
0xa8: {  	s4 =	sshll.u32 s28, $0x1;
	[dreg:$0x2] =	wrdreg s2  }
0xa9: {  	[dreg:$0x3] =	wrdreg s4  }
0xaa: {  	[dreg:$0x4] =	wrdreg $0xC0  }
0xab: {  	_ =	task [dreg:s6], $0x5FFFF  }
0xac: {  	[dreg:$0x1] =	wrdreg $0xFFFFFFFF  }
0xad: {  	[dreg:$0x0] =	wrdreg $0x60  }
0xae: {  	[dreg:$0x2] =	wrdreg s24  }
0xaf: {  	[dreg:$0x3] =	wrdreg $0x9  }
0xb0: {  	_ =	task.clear_ibuf [dreg:s6], $0x4FFFF;
	_ =	strace $0x9000004C  }
0xb1: {  	s29 =	simm.s32 $0x9;
	_ =	strace $0x8000004E  }
0xb2: {  	_ =	swait.ge [sflag:s29], $0x1  }
0xb3: {  	[sflag:s29] =	ssyncadd.s32 $0xFFFFFFFF  }
0xb4: {  	_ =	strace $0x9000004E  }
0xb5: {  	_ =	sfence  }
0xb6: {  	s30 =	sld [smem:$0x0];
	_ =	sdelay $0x2  }
0xb7: {  	s31 =	sshll.u32 s1, $0xD;
	s1 =	sshrl.u32 s1, $0x2  }
0xb8: {  	s3 =	sand.u32 $0x4000, s31;
	s1 =	sadd.s32 s1, s30  }
0xb9: {  	s0 =	sor.u32 s3, s0;
	s1 =	sshll.u32 s1, $0x11  }
0xba: {  	s0 =	sor.u32 s1, s0  }
0xbb: {  	s0 =	sadd.s32 $0x8F2B, s0  }
0xbc: {  	[sflag:s0] =	ssyncadd.remote.s32 $0x1  }
0xbd: {  	_ =	sfence.sel $0xFFFF  }
0xbe: {  	[dreg:$0x0] =	wrdreg $0xFFFFFFFF;
	(pc) =	sbr.abs _section_cstart, $3  }
0xbf: {  	[dreg:$0x1] =	wrdreg $0xFFFFFFFF  }
0xc0: {  	_ =	task.clear_ibuf [dreg:s6], $0x2FFFF;
	_ =	strace $0x9FFFFFFF  }
0xc1: {  	(tm) =	ssettm $0x7FFFFFFF  }
tec
execute0_lowered:
.L_overlay_start_1:
0x0: {  	(tag) =	ssettag $0x1  }
0x1: {  	s7 =	rddreg [dreg:$0x0]  }
0x2: {  	s0 =	rddreg [dreg:$0x1];
	_ =	strace $0x8000004D  }
0x3: {  	s1 =	srdreg.scid;
	s4 =	simm.s32 $0x1;
	s9 =	simm.s32 $0x3  }
0x4: {  	s11 =	simm.s32 $0x0;
	p0 =	por $0x0, $0x0;
	s5 =	sshll.u32 s1, $0x4  }
.Ltmp0:
0x5: {  	s1 =	stileid.u32;
	s5 =	sand.u32 $0x10, s5;
	(pc) =	sbr.rel .LBB2_1-.Ltmp0, $4  }
0x6: {  	s2 =	sadd.s32 $0x461600, s7;
	s3 =	sadd.s32 $0x461200, s7;
	s6 =	sor.u32 s1, s5  }
0x7: {  	[sflag:s4] =	ssyncpa.u1 $0x0;
	s5 =	simm.s32 $0x2;
	s6 =	sshll.u32 s6, $0x6  }
0x8: {  	s7 =	sadd.s32 $0x40400, s7;
	[sflag:s5] =	ssyncpa.u1 $0x0;
	s8 =	sadd.s32 $0x40, s6  }
0x9: {  	vm0 =	vmmov $0xff;
	vm1 =	vcmask $0x3F20;
	[sflag:s9] =	ssyncpa.u1 $0x0;
	s10 =	smov.u32 s6;
	s9 =	simm.s32 $0x0  }
.LBB2_5:
0xa: {  	p1 =	slt.u32 s9, $0x2;
	s11 =	sadd.s32 $0x10, s10  }
0xb: {  	s13 =	smov.u32 s6;
	s9 =	sadd.s32 $0x1, s9;
	p2 =	slt.s32 s11, s8  }
0xc: {  	s13 =	smov.u32 @p2 s11;
	p2 =	sne.s32 s9, $0x6  }
.Ltmp1:
0xd: {  	_ = 	snop;
	(pc) =	sbr.rel @!p2 .LBB2_6-.Ltmp1, $4  }
0xe: {  	s12 =	simm.s32 @!p1 $0x3  }
0xf: {  	_ =	swait.ge @!p1 [sflag:s12], $0x8000  }
0x10: {  	p0 =	por !p0, !p0;
	[sflag:s12] =	ssyncset.done @!p1 $0x0  }
0x11: {  	s11 =	smov.u32 s10;
	s10 =	smov.u32 s13;
	[sflag:s12] =	ssyncadd.s32 @!p1 $0xFFFF8000  }
.LBB2_1:
0x12: {  	p1 =	sgt.u32 s9, $0x3  }
0x13: {  	s12 =	sxor.u32 @!p1 $0xFFFFFFFF, s9  }
0x14: {  	s13 =	sshrl.u32 @!p1 s10, $0x3;
	s12 =	sshll.u32 @!p1 s12, $0x4  }
0x15: {  	s14 =	sand.u32 @!p1 $0x7, s10;
	s13 =	sadd.s32 @!p1 s3, s13;
	s12 =	sand.u32 @!p1 $0x10, s12  }
0x16: {  	[tilespmem:s12], [sflag:$0x2] =	stream.linear.gather @!p1 [hbm4b:s13+s14], $0x10, $0x38;
	[tilespmem:$0x10020] =	vst v63  }
0x17: {  	p1 =	seq.s32 s9, $0x0  }
0x18: {  	p2 =	seq.s32 @!p1 s9, $0x5  }
0x19: {  	p1 =	por p1, p2  }
.Ltmp2:
0x1a: {  	_ = 	snop;
	(pc) =	sbr.rel @p1 .LBB2_5-.Ltmp2, $1  }
0x1b: {  	_ =	sdelay $0x3  }
0x1c: {  	_ =	swait.ge [sflag:s5], $0x10  }
0x1d: {  	s12 =	sand.u32 $0x1, s9;
	[sflag:s5] =	ssyncset.done $0x0  }
0x1e: {  	s13 =	sshll.u32 s12, $0x4;
	[sflag:s5] =	ssyncadd.s32 $0xFFFFFFF0  }
0x1f: {  	v0 =	vld.msk [tilespmem:s13+$0x0 ss:$0x1], $0xffff;
	_ =	sdelay $0x4  }
0x20: {  	vm2 =	vgt.s32 v0, $0x0  }
0x21: {  	v0 =	vnsel vm2, $0x0, v0  }
0x22: {  	v0 =	vmin.u32 v0, $0xFFF  }
0x23: {  	v1 =	vshll.u32 v0, $0x8;
	v0 =	vshll.u32 v0, $0x4  }
0x24: {  	v1 =	vand.u32 $0xFF800, v1;
	v0 =	vand.u32 $0x70, v0  }
0x25: {  	s13 =	simm.s32 $0x1;
	v0 =	vor.u32 v0, v1  }
0x26: {  	s13 =	simm.s32 @!p0 $0x0  }
0x27: {  	s13 =	sshll.u32 s13, $0xF  }
0x28: {  	s14 =	sor.u32 $0x20, s13  }
0x29: {  	s12 =	sshll.u32 s12, $0xF;
	s16 =	sadd.s32 $0x0, s14  }
0x2a: {  	[tilespmem:s16], [sflag:$0x1] =	stream.indirect_vreg.gather [hbm:s2], $0x80, v0, vm0, $0x38;
	[tilespmem:$0x10020] =	vst v63  }
0x2b: {  	s15 =	simm.s32 $0x1000;
	s13 =	sor.u32 $0x20, s12;
	v1 =	vadd.s32 $0x80, v0;
	s16 =	sadd.s32 $0x4000, s16  }
.LBB2_3:
0x2c: {  	[tilespmem:s16], [sflag:$0x1] =	stream.indirect_vreg.gather [hbm:s2], $0x80, v0, vm1, $0x38;
	[tilespmem:$0x10020] =	vst v63  }
0x2d: {  	v0 =	vmov v1;
	s16 =	smov.u32 s15;
	p1 =	sne.s32 s15, $0xF000  }
.Ltmp3:
0x2e: {  	s15 =	sadd.s32 $0x1000, s15;
	(pc) =	sbr.rel @p1 .LBB2_3-.Ltmp3, $4  }
0x2f: {  	s16 =	sshra.s32 s16, $0x2  }
0x30: {  	s16 =	sadd.s32 s16, s14  }
0x31: {  	[tilespmem:s16], [sflag:$0x1] =	stream.indirect_vreg.gather [hbm:s2], $0x80, v1, vm0, $0x38;
	[tilespmem:$0x10020] =	vst v63  }
0x32: {  	s16 =	sadd.s32 $0x4000, s16;
	v1 =	vadd.s32 $0x80, v1  }
0x33: {  	_ =	sdelay $0x3  }
0x34: {  	[tilespmem:s16], [sflag:$0x1] =	stream.indirect_vreg.gather [hbm:s2], $0x80, v0, vm1, $0x38;
	[tilespmem:$0x10020] =	vst v63  }
0x35: {  	s14 =	sshll.u32 s11, $0x4;
	s31 =	sshll.u32 s11, $0x8  }
0x36: {  	_ =	swait.ge [sflag:s4], $0x8000;
	s14 =	sand.u32 $0x70, s14;
	s11 =	sand.u32 $0xFFFFF800, s31  }
.Ltmp4:
0x37: {  	[sflag:s4] =	ssyncset.done $0x0;
	s14 =	sadd.s32 s7, s14;
	(pc) =	sbr.rel .LBB2_5-.Ltmp4, $4  }
0x38: {  	[sflag:s4] =	ssyncadd.s32 $0xFFFF8000;
	s11 =	sadd.s32 s11, s14  }
0x39: {  	[hbm:s11] =	stream.linear.scatter [tilespmem:s13], [sflag:$0x3], $0x4000, $0x38;
	[tilespmem:$0x10020] =	vst v63  }
0x3a: {  	s12 =	sadd.s32 $0x4020, s12;
	s11 =	sadd.s32 $0x800, s11  }
0x3b: {  	[hbm:s11] =	stream.linear.scatter [tilespmem:s12], [sflag:$0x3], $0x4000, $0x38;
	[tilespmem:$0x10020] =	vst v63  }
.LBB2_6:
0x3c: {  	_ =	sfence.sel $0x180000  }
0x3d: {  	s2 =	simm.s32 $0x2;
	[bflag:$0x0] =	sbarrier.arrive $0xFFFF  }
0x3e: {  	s30 =	simm.s32 $0x3;
	[sflag:s2] =	ssyncpa.u1 $0x1  }
0x3f: {  	s31 =	simm.s32 $0x1;
	[sflag:s30] =	ssyncpa.u1 $0x1  }
0x40: {  	[sflag:s31] =	ssyncpa.u1 $0x1  }
0x41: {  	p0 =	sne.s32 s1, $0x0;
	_ =	strace $0x9000004D  }
0x42: {  	s0 =	sadd.s32 @!p0 $0x100000, s0;
	[bflag:$0x2] =	sbarrier.arrive $0xFFFF  }
0x43: {  	[sflag:s0] =	ssyncadd.tile.s32 @!p0 $0x1;
	_ =	shalt  }
.Lfunc_end2:
_tile_overlayer_lowered:
.L_overlay_start_2:
0x44: {  	(tag) =	ssettag $0x2  }
0x45: {  	s0 =	rddreg [dreg:$0x0];
	s2 =	stileid.u32  }
0x46: {  	s1 =	rddreg [dreg:$0x1];
	p0 =	sne.s32 s2, $0x0  }
0x47: {  	s3 =	rddreg [dreg:$0x2];
	[bflag:$0x3] =	sbarrier.arrive $0xFFFF;
	s2 =	simm.s32 @!p0 $0x1C01  }
0x48: {  	[timem:s3], [sflag:s2] =	dma.local @!p0 [hbm:s0], s1  }
0x49: {  	s0 =	simm.s32 @!p0 $0x1  }
0x4a: {  	_ =	swait.ge @!p0 [sflag:s0], s1  }
0x4b: {  	s1 =	ssub.s32 @!p0 $0x0, s1;
	[sflag:s0] =	ssyncset.done @!p0 $0x0  }
0x4c: {  	[sflag:s0] =	ssyncadd.s32 @!p0 s1  }
0x4d: {  	[bflag:$0x3] =	sbarrier.arrive $0xFFFF  }
0x4e: {  	_ =	shalt  }

// kernel: gather_offload_async_start.2
scs
__scs_entry_jumppad:
0x0: {  	(pc) =	sbr.rel $0x88, $3  }
0x1: {  	(tag) =	ssettag $0x0;
	lr =	simm.s32 $0x1  }
0x2: {  	[smem:$0x3F98] =	sst lr;
	_ =	strace $0xD0000000  }
0x3: {  	_ = 	snop  }
0x4: {  	_ = 	snop  }
0x5: {  	_ = 	snop  }
0x6: {  	_ = 	snop  }
0x7: {  	_ = 	snop  }
__scs_overlays_trampoline_lowered:
0x8: {  	[smem:$0x3FA7] =	sst s0  }
0x9: {  	[smem:$0x3FA8] =	sst s1  }
0xa: {  	[smem:$0x3FA9] =	sst s2  }
0xb: {  	[smem:$0x3FAA] =	sst s3  }
0xc: {  	[smem:$0x3FAB] =	sst s4  }
0xd: {  	[smem:$0x3FAC] =	sst s5  }
0xe: {  	[smem:$0x3FAD] =	sst s6  }
0xf: {  	[smem:$0x3FAE] =	sst s7  }
0x10: {  	[smem:$0x3FAF] =	sst s8  }
0x11: {  	[smem:$0x3FB0] =	sst s9;
	s0 =	simm.s32 @!p0 $0x0  }
0x12: {  	s1 =	sld [smem:$0x3F96];
	s0 =	simm.s32 @p0 $0x1  }
0x13: {  	[smem:$0x3FB1] =	sst s0;
	s0 =	simm.s32 @!p1 $0x0  }
0x14: {  	s2 =	sld [smem:$0x3F95];
	s0 =	simm.s32 @p1 $0x1  }
0x15: {  	[smem:$0x3FB2] =	sst s0;
	s0 =	simm.s32 @!p2 $0x0  }
0x16: {  	s3 =	sld [smem:$0x3FDB];
	s0 =	simm.s32 @p2 $0x1  }
0x17: {  	s4 =	simm.s32 $0x1BF5;
	[smem:$0x3FB4] =	sst s0  }
0x18: {  	s0 =	sld [smem:$0x3F97];
	_ =	swait.ge [sflag:s4], $0x0  }
0x19: {  	s7 =	sld [smem:$0x3F98]  }
0x1a: {  	s8 =	sadd.s32 $0xFFFFE003, lr  }
0x1b: {  	s9 =	sadd.s32 $0xFFFFFEF7, lr;
	s5 =	simm.s32 $0xFFFFFFFF;
	p2 =	slt.u32 s8, $0xFFFFF086  }
0x1c: {  	p1 =	slt.u32 s9, $0xF7A;
	s5 =	simm.s32 @!p2 $0x0  }
0x1d: {  	s5 =	simm.s32 @p1 $0x1;
	p0 =	seq.s32 s7, s2  }
0x1e: {  	s7 =	smul.u32 @!p0 $0xF7A, s2;
	p2 =	seq.s32 @!p0 s5, $0x0  }
0x1f: {  	s9 =	smul.u32 $0xF7A, s1;
	s8 =	simm.s32 @!p0 $0x1BF5;
	p2 =	por !p2, p0  }
0x20: {  	[sflag:s8] =	ssyncset.s32 @!p0 $0xFFFFF086;
	s6 =	sadd.s32 @!p0 s3, s7;
	s7 =	simm.s32 @!p0 $0x108  }
0x21: {  	s3 =	sadd.s32 s3, s9;
	s6 =	sadd.s32 @!p0 $0x88, s6;
	s7 =	simm.s32 @p2 $0x1082  }
0x22: {  	[simem:s7], [sflag:s8] =	dma.local @!p0 [hbm:s6], $0xF7A  }
0x23: {  	s9 =	sor.u32 $0xD0000000, s2;
	s6 =	simm.s32 $0x108;
	_ =	swait.ge @!p0 [sflag:s8], $0x0  }
0x24: {  	s3 =	sadd.s32 $0x88, s3;
	s6 =	simm.s32 @!p1 $0x1082;
	[sflag:s4] =	ssyncset.s32 $0xFFFFF086  }
0x25: {  	[simem:s6], [sflag:s4] =	dma.local [hbm:s3], $0xF7A  }
0x26: {  	[smem:$0x3F98] =	sst s1;
	(tag) =	ssettag s2;
	_ =	strace s9  }
0x27: {  	s1 =	sld [smem:$0x3FA8]  }
0x28: {  	s2 =	sld [smem:$0x3FA9]  }
0x29: {  	s4 =	sld [smem:$0x3FAB]  }
0x2a: {  	p0 =	seq.s32 s5, $0x0;
	s5 =	sld [smem:$0x3FAC]  }
0x2b: {  	s6 =	sld [smem:$0x3FAD]  }
0x2c: {  	s7 =	sld [smem:$0x3FAE]  }
0x2d: {  	s3 =	simm.s32 $0x108;
	s8 =	sld [smem:$0x3FAF]  }
0x2e: {  	s3 =	simm.s32 @!p0 $0x1082;
	s9 =	sld [smem:$0x3FB0]  }
0x2f: {  	lr =	sadd.s32 s0, s3;
	s0 =	sld [smem:$0x3FA7]  }
0x30: {  	s3 =	sld [smem:$0x3FAA]  }
0x31: {  	[smem:$0x3FB3] =	sst s10  }
0x32: {  	s10 =	sld [smem:$0x3FB1];
	_ =	sdelay $0x3  }
0x33: {  	p0 =	seq.s32 s10, $0x1;
	s10 =	sld [smem:$0x3FB3];
	_ =	sdelay $0x3  }
0x34: {  	[smem:$0x3FB3] =	sst s10  }
0x35: {  	s10 =	sld [smem:$0x3FB2];
	_ =	sdelay $0x3  }
0x36: {  	p1 =	seq.s32 s10, $0x1;
	s10 =	sld [smem:$0x3FB3];
	_ =	sdelay $0x3  }
0x37: {  	[smem:$0x3FB3] =	sst s10  }
0x38: {  	s10 =	sld [smem:$0x3FB4]  }
0x39: {  	_ = 	snop;
	(pc) =	sbr.ind lr, $3  }
0x3a: {  	_ = 	snop  }
0x3b: {  	_ = 	snop  }
0x3c: {  	p2 =	seq.s32 s10, $0x1;
	s10 =	sld [smem:$0x3FB3]  }
0x3d: {  	_ =	shalt  }
0x3e: {  	_ =	shalt  }
0x3f: {  	_ =	shalt  }
0x40: {  	_ =	shalt  }
0x41: {  	_ =	shalt  }
0x42: {  	_ =	shalt  }
0x43: {  	_ =	shalt  }
0x44: {  	_ =	shalt  }
0x45: {  	_ =	shalt  }
0x46: {  	_ =	shalt  }
0x47: {  	_ =	shalt  }
0x48: {  	_ =	shalt  }
0x49: {  	_ =	shalt  }
0x4a: {  	_ =	shalt  }
0x4b: {  	_ =	shalt  }
0x4c: {  	_ =	shalt  }
0x4d: {  	_ =	shalt  }
0x4e: {  	_ =	shalt  }
0x4f: {  	_ =	shalt  }
0x50: {  	_ =	shalt  }
0x51: {  	_ =	shalt  }
0x52: {  	_ =	shalt  }
0x53: {  	_ =	shalt  }
0x54: {  	_ =	shalt  }
0x55: {  	_ =	shalt  }
0x56: {  	_ =	shalt  }
0x57: {  	_ =	shalt  }
0x58: {  	_ =	shalt  }
0x59: {  	_ =	shalt  }
0x5a: {  	_ =	shalt  }
0x5b: {  	_ =	shalt  }
0x5c: {  	_ =	shalt  }
0x5d: {  	_ =	shalt  }
0x5e: {  	_ =	shalt  }
0x5f: {  	_ =	shalt  }
0x60: {  	_ =	shalt  }
0x61: {  	_ =	shalt  }
0x62: {  	_ =	shalt  }
0x63: {  	_ =	shalt  }
0x64: {  	_ =	shalt  }
0x65: {  	_ =	shalt  }
0x66: {  	_ =	shalt  }
0x67: {  	_ =	shalt  }
0x68: {  	_ =	shalt  }
0x69: {  	_ =	shalt  }
0x6a: {  	_ =	shalt  }
0x6b: {  	_ =	shalt  }
0x6c: {  	_ =	shalt  }
0x6d: {  	_ =	shalt  }
0x6e: {  	_ =	shalt  }
0x6f: {  	_ =	shalt  }
0x70: {  	_ =	shalt  }
0x71: {  	_ =	shalt  }
0x72: {  	_ =	shalt  }
0x73: {  	_ =	shalt  }
0x74: {  	_ =	shalt  }
0x75: {  	_ =	shalt  }
0x76: {  	_ =	shalt  }
0x77: {  	_ =	shalt  }
0x78: {  	_ =	shalt  }
0x79: {  	_ =	shalt  }
0x7a: {  	_ =	shalt  }
0x7b: {  	_ =	shalt  }
0x7c: {  	_ =	shalt  }
0x7d: {  	_ =	shalt  }
0x7e: {  	_ =	shalt  }
0x7f: {  	_ =	shalt  }
0x80: {  	_ =	shalt  }
0x81: {  	_ =	shalt  }
0x82: {  	_ =	shalt  }
0x83: {  	_ =	shalt  }
0x84: {  	_ =	shalt  }
0x85: {  	_ =	shalt  }
0x86: {  	_ =	shalt  }
0x87: {  	_ =	shalt  }
.Lfunc_end0:
.L_simem_size_0:
called_computation.3_lowered:
.L_overlay_start_0:
0x88: {  	s2 =	sld [smem:$0x3FD9]  }
0x89: {  	s3 =	sld [smem:$0x3FFE];
	_ =	sdelay $0x1  }
0x8a: {  	s1 =	srdreg.scid  }
0x8b: {  	s0 =	sand.u32 $0x1, s1  }
0x8c: {  	s17 =	sshll.u32 s0, $0xA;
	s2 =	sadd.s32 s3, s2  }
0x8d: {  	s2 =	sadd.s32 s2, s17  }
0x8e: {  	[smem:$0x3FBF] =	sst s2  }
0x8f: {  	_ = 	snop  }
0x90: {  	(tm) =	ssettm $0x1  }
0x91: {  	s18 =	sld [smem:$0x3FFB];
	_ =	sdelay $0x3  }
0x92: {  	_ =	strace s18  }
0x93: {  	s2 =	sld [smem:$0x3FFC];
	_ =	sdelay $0x3  }
0x94: {  	_ =	strace s2  }
0x95: {  	s2 =	sld [smem:$0x3FFD];
	_ =	sdelay $0x3  }
0x96: {  	_ =	strace s2  }
0x97: {  	_ =	strace $0x8FFFFFFF  }
0x98: {  	s19 =	sld [smem:$0x3FDB];
	_ =	sdelay $0x1  }
0x99: {  	s20 =	simm.s32 $_scs_section_size  }
0x9a: {  	s4 =	simm.s32 $_size__tile_overlayer_lowered;
	s5 =	simm.s32 $_tile_overlayer_lowered  }
0x9b: {  	s6 =	simm.s32 $0x1BFF;
	s21 =	sshll.u32 s5, $0x1;
	s3 =	sadd.s32 s20, s19  }
0x9c: {  	s22 =	simm.s32 $0x0;
	s4 =	sshll.u32 s4, $0x1;
	s5 =	sadd.s32 s21, s3  }
0x9d: {  	[timem:s22], [sflag:s6] =	dma.local [hbm:s5], s4  }
0x9e: {  	_ =	swait.ge [sflag:s6], s4  }
0x9f: {  	s4 =	ssub.s32 $0x0, s4;
	[sflag:s6] =	ssyncset.done $0x0  }
0xa0: {  	[sflag:s6] =	ssyncadd.s32 s4;
	_ =	sdelay $0x1  }
0xa1: {  	s23 =	simm.s32 $0x1B8B  }
0xa2: {  	_ =	swait.ge [sflag:s23], $0x1  }
0xa3: {  	[sflag:s23] =	ssyncset.done $0x0  }
0xa4: {  	[sflag:s23] =	ssyncadd.s32 $0xFFFFFFFF  }
0xa5: {  	s4 =	sld [smem:$0x0]  }
0xa6: {  	s5 =	sand.u32 $0xFFFFFFFE, s1  }
0xa7: {  	p0 =	sne.s32 s1, s5  }
0xa8: {  	s5 =	sshll.u32 @p0 s5, $0xE  }
0xa9: {  	s5 =	sadd.s32 @p0 $0x11B8D, s5;
	s6 =	sshll.u32 @p0 s4, $0x11  }
0xaa: {  	s5 =	sor.u32 @p0 s6, s5  }
0xab: {  	[sflag:s5] =	ssyncadd.remote.s32 @p0 $0x1;
	_ =	sdelay $0x1  }
0xac: {  	s5 =	simm.s32 @p0 $0x1B8D  }
0xad: {  	_ =	swait.eq @p0 [sflag:s5], $0x1  }
0xae: {  	[sflag:s5] =	ssyncadd.s32 @p0 $0xFFFFFFFF  }
0xaf: {  	s6 =	sshll.u32 @!p0 s1, $0xE  }
0xb0: {  	s6 =	sor.u32 @!p0 $0x4000, s6;
	s5 =	simm.s32 @!p0 $0x1B8D  }
0xb1: {  	s4 =	sshll.u32 @!p0 s4, $0x11;
	s6 =	sadd.s32 @!p0 $0x11B8D, s6;
	_ =	swait.eq @!p0 [sflag:s5], $0x1  }
0xb2: {  	s4 =	sor.u32 @!p0 s4, s6;
	[sflag:s5] =	ssyncadd.s32 @!p0 $0xFFFFFFFF  }
0xb3: {  	s25 =	simm.s32 $0x1B8E;
	s24 =	sld [smem:$0x3FFE];
	[sflag:s4] =	ssyncadd.remote.s32 @!p0 $0x1  }
0xb4: {  	s26 =	simm.s32 $execute0_lowered;
	[smem:$0x3FD2] =	sst s25  }
0xb5: {  	s5 =	sshll.u32 s26, $0x1;
	_ =	strace $0x8000004F;
	[dreg:$0x1] =	wrdreg $0xFFFFFFFF  }
0xb6: {  	s28 =	simm.s32 $_size_execute0_lowered;
	s3 =	sadd.s32 s3, s5;
	[dreg:$0x0] =	wrdreg $0x0  }
0xb7: {  	s5 =	sshll.u32 s28, $0x1;
	[dreg:$0x2] =	wrdreg s3  }
0xb8: {  	[dreg:$0x3] =	wrdreg s5  }
0xb9: {  	[dreg:$0x4] =	wrdreg $0xC0  }
0xba: {  	_ =	task [dreg:s22], $0x5FFFF  }
0xbb: {  	[dreg:$0x1] =	wrdreg $0xFFFFFFFF  }
0xbc: {  	[dreg:$0x0] =	wrdreg $0x60  }
0xbd: {  	[dreg:$0x2] =	wrdreg s24  }
0xbe: {  	[dreg:$0x3] =	wrdreg $0xA  }
0xbf: {  	_ =	task.clear_ibuf [dreg:s22], $0x4FFFF;
	_ =	strace $0x9000004F  }
0xc0: {  	s29 =	simm.s32 $0xA;
	_ =	strace $0x80000051  }
0xc1: {  	_ =	swait.ge [sflag:s29], $0x1  }
0xc2: {  	[sflag:s29] =	ssyncadd.s32 $0xFFFFFFFF  }
0xc3: {  	_ =	strace $0x90000051  }
0xc4: {  	_ =	sfence  }
0xc5: {  	s30 =	sld [smem:$0x0];
	_ =	sdelay $0x2  }
0xc6: {  	s31 =	sshll.u32 s1, $0xD;
	s1 =	sshrl.u32 s1, $0x2  }
0xc7: {  	s4 =	sand.u32 $0x4000, s31;
	s1 =	sadd.s32 s1, s30  }
0xc8: {  	s0 =	sor.u32 s4, s0;
	s1 =	sshll.u32 s1, $0x11  }
0xc9: {  	s0 =	sor.u32 s1, s0  }
0xca: {  	s0 =	sadd.s32 $0x8F2B, s0  }
0xcb: {  	[sflag:s0] =	ssyncadd.remote.s32 $0x1  }
0xcc: {  	_ =	sfence.sel $0xFFFF  }
0xcd: {  	[dreg:$0x0] =	wrdreg $0xFFFFFFFF;
	(pc) =	sbr.abs _section_cstart, $3  }
0xce: {  	[dreg:$0x1] =	wrdreg $0xFFFFFFFF  }
0xcf: {  	_ =	task.clear_ibuf [dreg:s22], $0x2FFFF;
	_ =	strace $0x9FFFFFFF  }
0xd0: {  	(tm) =	ssettm $0x7FFFFFFF  }
0xd1: {  	_ =	shalt  }
tec
execute0_lowered:
.L_overlay_start_1:
0x0: {  	(tag) =	ssettag $0x1  }
0x1: {  	s7 =	rddreg [dreg:$0x0]  }
0x2: {  	s0 =	rddreg [dreg:$0x1];
	_ =	strace $0x80000050  }
0x3: {  	s1 =	srdreg.scid;
	s4 =	simm.s32 $0x1;
	s9 =	simm.s32 $0x3  }
0x4: {  	s11 =	simm.s32 $0x0;
	p0 =	por $0x0, $0x0;
	s5 =	sshll.u32 s1, $0x4  }
.Ltmp0:
0x5: {  	s1 =	stileid.u32;
	s5 =	sand.u32 $0x10, s5;
	(pc) =	sbr.rel .LBB2_1-.Ltmp0, $4  }
0x6: {  	s2 =	sadd.s32 $0x461600, s7;
	s3 =	sadd.s32 $0x461400, s7;
	s6 =	sor.u32 s1, s5  }
0x7: {  	[sflag:s4] =	ssyncpa.u1 $0x0;
	s5 =	simm.s32 $0x2;
	s6 =	sshll.u32 s6, $0x6  }
0x8: {  	s7 =	sadd.s32 $0xC0400, s7;
	[sflag:s5] =	ssyncpa.u1 $0x0;
	s8 =	sadd.s32 $0x40, s6  }
0x9: {  	vm0 =	vmmov $0xff;
	vm1 =	vcmask $0x3F20;
	[sflag:s9] =	ssyncpa.u1 $0x0;
	s10 =	smov.u32 s6;
	s9 =	simm.s32 $0x0  }
.LBB2_5:
0xa: {  	p1 =	slt.u32 s9, $0x2;
	s11 =	sadd.s32 $0x10, s10  }
0xb: {  	s13 =	smov.u32 s6;
	s9 =	sadd.s32 $0x1, s9;
	p2 =	slt.s32 s11, s8  }
0xc: {  	s13 =	smov.u32 @p2 s11;
	p2 =	sne.s32 s9, $0x6  }
.Ltmp1:
0xd: {  	_ = 	snop;
	(pc) =	sbr.rel @!p2 .LBB2_6-.Ltmp1, $4  }
0xe: {  	s12 =	simm.s32 @!p1 $0x3  }
0xf: {  	_ =	swait.ge @!p1 [sflag:s12], $0x8000  }
0x10: {  	p0 =	por !p0, !p0;
	[sflag:s12] =	ssyncset.done @!p1 $0x0  }
0x11: {  	s11 =	smov.u32 s10;
	s10 =	smov.u32 s13;
	[sflag:s12] =	ssyncadd.s32 @!p1 $0xFFFF8000  }
.LBB2_1:
0x12: {  	p1 =	sgt.u32 s9, $0x3  }
0x13: {  	s12 =	sxor.u32 @!p1 $0xFFFFFFFF, s9  }
0x14: {  	s13 =	sshrl.u32 @!p1 s10, $0x3;
	s12 =	sshll.u32 @!p1 s12, $0x4  }
0x15: {  	s14 =	sand.u32 @!p1 $0x7, s10;
	s13 =	sadd.s32 @!p1 s3, s13;
	s12 =	sand.u32 @!p1 $0x10, s12  }
0x16: {  	[tilespmem:s12], [sflag:$0x2] =	stream.linear.gather @!p1 [hbm4b:s13+s14], $0x10, $0x38;
	[tilespmem:$0x10020] =	vst v63  }
0x17: {  	p1 =	seq.s32 s9, $0x0  }
0x18: {  	p2 =	seq.s32 @!p1 s9, $0x5  }
0x19: {  	p1 =	por p1, p2  }
.Ltmp2:
0x1a: {  	_ = 	snop;
	(pc) =	sbr.rel @p1 .LBB2_5-.Ltmp2, $1  }
0x1b: {  	_ =	sdelay $0x3  }
0x1c: {  	_ =	swait.ge [sflag:s5], $0x10  }
0x1d: {  	s12 =	sand.u32 $0x1, s9;
	[sflag:s5] =	ssyncset.done $0x0  }
0x1e: {  	s13 =	sshll.u32 s12, $0x4;
	[sflag:s5] =	ssyncadd.s32 $0xFFFFFFF0  }
0x1f: {  	v0 =	vld.msk [tilespmem:s13+$0x0 ss:$0x1], $0xffff;
	_ =	sdelay $0x4  }
0x20: {  	vm2 =	vgt.s32 v0, $0x0  }
0x21: {  	v0 =	vnsel vm2, $0x0, v0  }
0x22: {  	v0 =	vmin.u32 v0, $0xFFF  }
0x23: {  	v1 =	vshll.u32 v0, $0x8;
	v0 =	vshll.u32 v0, $0x4  }
0x24: {  	v1 =	vand.u32 $0xFF800, v1;
	v0 =	vand.u32 $0x70, v0  }
0x25: {  	s13 =	simm.s32 $0x1;
	v0 =	vor.u32 v0, v1  }
0x26: {  	s13 =	simm.s32 @!p0 $0x0  }
0x27: {  	s13 =	sshll.u32 s13, $0xF  }
0x28: {  	s14 =	sor.u32 $0x20, s13  }
0x29: {  	s12 =	sshll.u32 s12, $0xF;
	s16 =	sadd.s32 $0x0, s14  }
0x2a: {  	[tilespmem:s16], [sflag:$0x1] =	stream.indirect_vreg.gather [hbm:s2], $0x80, v0, vm0, $0x38;
	[tilespmem:$0x10020] =	vst v63  }
0x2b: {  	s15 =	simm.s32 $0x1000;
	s13 =	sor.u32 $0x20, s12;
	v1 =	vadd.s32 $0x80, v0;
	s16 =	sadd.s32 $0x4000, s16  }
.LBB2_3:
0x2c: {  	[tilespmem:s16], [sflag:$0x1] =	stream.indirect_vreg.gather [hbm:s2], $0x80, v0, vm1, $0x38;
	[tilespmem:$0x10020] =	vst v63  }
0x2d: {  	v0 =	vmov v1;
	s16 =	smov.u32 s15;
	p1 =	sne.s32 s15, $0xF000  }
.Ltmp3:
0x2e: {  	s15 =	sadd.s32 $0x1000, s15;
	(pc) =	sbr.rel @p1 .LBB2_3-.Ltmp3, $4  }
0x2f: {  	s16 =	sshra.s32 s16, $0x2  }
0x30: {  	s16 =	sadd.s32 s16, s14  }
0x31: {  	[tilespmem:s16], [sflag:$0x1] =	stream.indirect_vreg.gather [hbm:s2], $0x80, v1, vm0, $0x38;
	[tilespmem:$0x10020] =	vst v63  }
0x32: {  	s16 =	sadd.s32 $0x4000, s16;
	v1 =	vadd.s32 $0x80, v1  }
0x33: {  	_ =	sdelay $0x3  }
0x34: {  	[tilespmem:s16], [sflag:$0x1] =	stream.indirect_vreg.gather [hbm:s2], $0x80, v0, vm1, $0x38;
	[tilespmem:$0x10020] =	vst v63  }
0x35: {  	s14 =	sshll.u32 s11, $0x4;
	s31 =	sshll.u32 s11, $0x8  }
0x36: {  	_ =	swait.ge [sflag:s4], $0x8000;
	s14 =	sand.u32 $0x70, s14;
	s11 =	sand.u32 $0xFFFFF800, s31  }
.Ltmp4:
0x37: {  	[sflag:s4] =	ssyncset.done $0x0;
	s14 =	sadd.s32 s7, s14;
	(pc) =	sbr.rel .LBB2_5-.Ltmp4, $4  }
0x38: {  	[sflag:s4] =	ssyncadd.s32 $0xFFFF8000;
	s11 =	sadd.s32 s11, s14  }
0x39: {  	[hbm:s11] =	stream.linear.scatter [tilespmem:s13], [sflag:$0x3], $0x4000, $0x38;
	[tilespmem:$0x10020] =	vst v63  }
0x3a: {  	s12 =	sadd.s32 $0x4020, s12;
	s11 =	sadd.s32 $0x800, s11  }
0x3b: {  	[hbm:s11] =	stream.linear.scatter [tilespmem:s12], [sflag:$0x3], $0x4000, $0x38;
	[tilespmem:$0x10020] =	vst v63  }
.LBB2_6:
0x3c: {  	_ =	sfence.sel $0x180000  }
0x3d: {  	s2 =	simm.s32 $0x2;
	[bflag:$0x0] =	sbarrier.arrive $0xFFFF  }
0x3e: {  	s30 =	simm.s32 $0x3;
	[sflag:s2] =	ssyncpa.u1 $0x1  }
0x3f: {  	s31 =	simm.s32 $0x1;
	[sflag:s30] =	ssyncpa.u1 $0x1  }
0x40: {  	[sflag:s31] =	ssyncpa.u1 $0x1  }
0x41: {  	p0 =	sne.s32 s1, $0x0;
	_ =	strace $0x90000050  }
0x42: {  	s0 =	sadd.s32 @!p0 $0x100000, s0;
	[bflag:$0x2] =	sbarrier.arrive $0xFFFF  }
0x43: {  	[sflag:s0] =	ssyncadd.tile.s32 @!p0 $0x1;
	_ =	shalt  }
.Lfunc_end2:
_tile_overlayer_lowered:
.L_overlay_start_2:
0x44: {  	(tag) =	ssettag $0x2  }
0x45: {  	s0 =	rddreg [dreg:$0x0];
	s2 =	stileid.u32  }
0x46: {  	s1 =	rddreg [dreg:$0x1];
	p0 =	sne.s32 s2, $0x0  }
0x47: {  	s3 =	rddreg [dreg:$0x2];
	[bflag:$0x3] =	sbarrier.arrive $0xFFFF;
	s2 =	simm.s32 @!p0 $0x1C01  }
0x48: {  	[timem:s3], [sflag:s2] =	dma.local @!p0 [hbm:s0], s1  }
0x49: {  	s0 =	simm.s32 @!p0 $0x1  }
0x4a: {  	_ =	swait.ge @!p0 [sflag:s0], s1  }
0x4b: {  	s1 =	ssub.s32 @!p0 $0x0, s1;
	[sflag:s0] =	ssyncset.done @!p0 $0x0  }
0x4c: {  	[sflag:s0] =	ssyncadd.s32 @!p0 s1  }
0x4d: {  	[bflag:$0x3] =	sbarrier.arrive $0xFFFF  }
0x4e: {  	_ =	shalt  }

// kernel: gather_offload_async_start
scs
__scs_entry_jumppad:
0x0: {  	(pc) =	sbr.rel $0x88, $3  }
0x1: {  	(tag) =	ssettag $0x0;
	lr =	simm.s32 $0x1  }
0x2: {  	[smem:$0x3F98] =	sst lr;
	_ =	strace $0xD0000000  }
0x3: {  	_ = 	snop  }
0x4: {  	_ = 	snop  }
0x5: {  	_ = 	snop  }
0x6: {  	_ = 	snop  }
0x7: {  	_ = 	snop  }
__scs_overlays_trampoline_lowered:
0x8: {  	[smem:$0x3FA7] =	sst s0  }
0x9: {  	[smem:$0x3FA8] =	sst s1  }
0xa: {  	[smem:$0x3FA9] =	sst s2  }
0xb: {  	[smem:$0x3FAA] =	sst s3  }
0xc: {  	[smem:$0x3FAB] =	sst s4  }
0xd: {  	[smem:$0x3FAC] =	sst s5  }
0xe: {  	[smem:$0x3FAD] =	sst s6  }
0xf: {  	[smem:$0x3FAE] =	sst s7  }
0x10: {  	[smem:$0x3FAF] =	sst s8  }
0x11: {  	[smem:$0x3FB0] =	sst s9;
	s0 =	simm.s32 @!p0 $0x0  }
0x12: {  	s1 =	sld [smem:$0x3F96];
	s0 =	simm.s32 @p0 $0x1  }
0x13: {  	[smem:$0x3FB1] =	sst s0;
	s0 =	simm.s32 @!p1 $0x0  }
0x14: {  	s2 =	sld [smem:$0x3F95];
	s0 =	simm.s32 @p1 $0x1  }
0x15: {  	[smem:$0x3FB2] =	sst s0;
	s0 =	simm.s32 @!p2 $0x0  }
0x16: {  	s3 =	sld [smem:$0x3FDB];
	s0 =	simm.s32 @p2 $0x1  }
0x17: {  	s4 =	simm.s32 $0x1BF5;
	[smem:$0x3FB4] =	sst s0  }
0x18: {  	s0 =	sld [smem:$0x3F97];
	_ =	swait.ge [sflag:s4], $0x0  }
0x19: {  	s7 =	sld [smem:$0x3F98]  }
0x1a: {  	s8 =	sadd.s32 $0xFFFFE003, lr  }
0x1b: {  	s9 =	sadd.s32 $0xFFFFFEF7, lr;
	s5 =	simm.s32 $0xFFFFFFFF;
	p2 =	slt.u32 s8, $0xFFFFF086  }
0x1c: {  	p1 =	slt.u32 s9, $0xF7A;
	s5 =	simm.s32 @!p2 $0x0  }
0x1d: {  	s5 =	simm.s32 @p1 $0x1;
	p0 =	seq.s32 s7, s2  }
0x1e: {  	s7 =	smul.u32 @!p0 $0xF7A, s2;
	p2 =	seq.s32 @!p0 s5, $0x0  }
0x1f: {  	s9 =	smul.u32 $0xF7A, s1;
	s8 =	simm.s32 @!p0 $0x1BF5;
	p2 =	por !p2, p0  }
0x20: {  	[sflag:s8] =	ssyncset.s32 @!p0 $0xFFFFF086;
	s6 =	sadd.s32 @!p0 s3, s7;
	s7 =	simm.s32 @!p0 $0x108  }
0x21: {  	s3 =	sadd.s32 s3, s9;
	s6 =	sadd.s32 @!p0 $0x88, s6;
	s7 =	simm.s32 @p2 $0x1082  }
0x22: {  	[simem:s7], [sflag:s8] =	dma.local @!p0 [hbm:s6], $0xF7A  }
0x23: {  	s9 =	sor.u32 $0xD0000000, s2;
	s6 =	simm.s32 $0x108;
	_ =	swait.ge @!p0 [sflag:s8], $0x0  }
0x24: {  	s3 =	sadd.s32 $0x88, s3;
	s6 =	simm.s32 @!p1 $0x1082;
	[sflag:s4] =	ssyncset.s32 $0xFFFFF086  }
0x25: {  	[simem:s6], [sflag:s4] =	dma.local [hbm:s3], $0xF7A  }
0x26: {  	[smem:$0x3F98] =	sst s1;
	(tag) =	ssettag s2;
	_ =	strace s9  }
0x27: {  	s1 =	sld [smem:$0x3FA8]  }
0x28: {  	s2 =	sld [smem:$0x3FA9]  }
0x29: {  	s4 =	sld [smem:$0x3FAB]  }
0x2a: {  	p0 =	seq.s32 s5, $0x0;
	s5 =	sld [smem:$0x3FAC]  }
0x2b: {  	s6 =	sld [smem:$0x3FAD]  }
0x2c: {  	s7 =	sld [smem:$0x3FAE]  }
0x2d: {  	s3 =	simm.s32 $0x108;
	s8 =	sld [smem:$0x3FAF]  }
0x2e: {  	s3 =	simm.s32 @!p0 $0x1082;
	s9 =	sld [smem:$0x3FB0]  }
0x2f: {  	lr =	sadd.s32 s0, s3;
	s0 =	sld [smem:$0x3FA7]  }
0x30: {  	s3 =	sld [smem:$0x3FAA]  }
0x31: {  	[smem:$0x3FB3] =	sst s10  }
0x32: {  	s10 =	sld [smem:$0x3FB1];
	_ =	sdelay $0x3  }
0x33: {  	p0 =	seq.s32 s10, $0x1;
	s10 =	sld [smem:$0x3FB3];
	_ =	sdelay $0x3  }
0x34: {  	[smem:$0x3FB3] =	sst s10  }
0x35: {  	s10 =	sld [smem:$0x3FB2];
	_ =	sdelay $0x3  }
0x36: {  	p1 =	seq.s32 s10, $0x1;
	s10 =	sld [smem:$0x3FB3];
	_ =	sdelay $0x3  }
0x37: {  	[smem:$0x3FB3] =	sst s10  }
0x38: {  	s10 =	sld [smem:$0x3FB4]  }
0x39: {  	_ = 	snop;
	(pc) =	sbr.ind lr, $3  }
0x3a: {  	_ = 	snop  }
0x3b: {  	_ = 	snop  }
0x3c: {  	p2 =	seq.s32 s10, $0x1;
	s10 =	sld [smem:$0x3FB3]  }
0x3d: {  	_ =	shalt  }
0x3e: {  	_ =	shalt  }
0x3f: {  	_ =	shalt  }
0x40: {  	_ =	shalt  }
0x41: {  	_ =	shalt  }
0x42: {  	_ =	shalt  }
0x43: {  	_ =	shalt  }
0x44: {  	_ =	shalt  }
0x45: {  	_ =	shalt  }
0x46: {  	_ =	shalt  }
0x47: {  	_ =	shalt  }
0x48: {  	_ =	shalt  }
0x49: {  	_ =	shalt  }
0x4a: {  	_ =	shalt  }
0x4b: {  	_ =	shalt  }
0x4c: {  	_ =	shalt  }
0x4d: {  	_ =	shalt  }
0x4e: {  	_ =	shalt  }
0x4f: {  	_ =	shalt  }
0x50: {  	_ =	shalt  }
0x51: {  	_ =	shalt  }
0x52: {  	_ =	shalt  }
0x53: {  	_ =	shalt  }
0x54: {  	_ =	shalt  }
0x55: {  	_ =	shalt  }
0x56: {  	_ =	shalt  }
0x57: {  	_ =	shalt  }
0x58: {  	_ =	shalt  }
0x59: {  	_ =	shalt  }
0x5a: {  	_ =	shalt  }
0x5b: {  	_ =	shalt  }
0x5c: {  	_ =	shalt  }
0x5d: {  	_ =	shalt  }
0x5e: {  	_ =	shalt  }
0x5f: {  	_ =	shalt  }
0x60: {  	_ =	shalt  }
0x61: {  	_ =	shalt  }
0x62: {  	_ =	shalt  }
0x63: {  	_ =	shalt  }
0x64: {  	_ =	shalt  }
0x65: {  	_ =	shalt  }
0x66: {  	_ =	shalt  }
0x67: {  	_ =	shalt  }
0x68: {  	_ =	shalt  }
0x69: {  	_ =	shalt  }
0x6a: {  	_ =	shalt  }
0x6b: {  	_ =	shalt  }
0x6c: {  	_ =	shalt  }
0x6d: {  	_ =	shalt  }
0x6e: {  	_ =	shalt  }
0x6f: {  	_ =	shalt  }
0x70: {  	_ =	shalt  }
0x71: {  	_ =	shalt  }
0x72: {  	_ =	shalt  }
0x73: {  	_ =	shalt  }
0x74: {  	_ =	shalt  }
0x75: {  	_ =	shalt  }
0x76: {  	_ =	shalt  }
0x77: {  	_ =	shalt  }
0x78: {  	_ =	shalt  }
0x79: {  	_ =	shalt  }
0x7a: {  	_ =	shalt  }
0x7b: {  	_ =	shalt  }
0x7c: {  	_ =	shalt  }
0x7d: {  	_ =	shalt  }
0x7e: {  	_ =	shalt  }
0x7f: {  	_ =	shalt  }
0x80: {  	_ =	shalt  }
0x81: {  	_ =	shalt  }
0x82: {  	_ =	shalt  }
0x83: {  	_ =	shalt  }
0x84: {  	_ =	shalt  }
0x85: {  	_ =	shalt  }
0x86: {  	_ =	shalt  }
0x87: {  	_ =	shalt  }
.Lfunc_end0:
.L_simem_size_0:
called_computation.1_lowered:
.L_overlay_start_0:
0x88: {  	s2 =	sld [smem:$0x3FD9]  }
0x89: {  	s3 =	sld [smem:$0x3FFE];
	_ =	sdelay $0x1  }
0x8a: {  	s1 =	srdreg.scid  }
0x8b: {  	s0 =	sand.u32 $0x1, s1  }
0x8c: {  	s14 =	sshll.u32 s0, $0xA;
	s2 =	sadd.s32 s3, s2  }
0x8d: {  	s2 =	sadd.s32 s2, s14  }
0x8e: {  	[smem:$0x3FBF] =	sst s2  }
0x8f: {  	_ = 	snop  }
0x90: {  	s2 =	sld [smem:$0x3FD0];
	_ =	sdelay $0x2  }
0x91: {  	s15 =	simm.s32 $0xB;
	s4 =	simm.s32 $0x10  }
0x92: {  	[smem:s4], [sflag:s15] =	dma.local [hbm:s2], $0x1  }
0x93: {  	_ =	swait.eq [sflag:s15], $0x1  }
0x94: {  	[sflag:s15] =	ssyncset.done $0x0  }
0x95: {  	[sflag:s15] =	ssyncadd.s32 $0xFFFFFFFF  }
0x96: {  	s16 =	sld [smem:$0x10];
	(tm) =	ssettm $0x1  }
0x97: {  	s17 =	sld [smem:$0x3FFB];
	_ =	sdelay $0x3  }
0x98: {  	_ =	strace s17  }
0x99: {  	s3 =	sld [smem:$0x3FFC];
	_ =	sdelay $0x3  }
0x9a: {  	_ =	strace s3  }
0x9b: {  	s3 =	sld [smem:$0x3FFD];
	_ =	sdelay $0x3  }
0x9c: {  	_ =	strace s3  }
0x9d: {  	_ =	strace $0x8FFFFFFF  }
0x9e: {  	s18 =	sld [smem:$0x3FDB];
	_ =	sdelay $0x1  }
0x9f: {  	s19 =	simm.s32 $_scs_section_size  }
0xa0: {  	s5 =	simm.s32 $_size__tile_overlayer_lowered;
	s6 =	simm.s32 $_tile_overlayer_lowered  }
0xa1: {  	s22 =	simm.s32 $0x1BFF;
	s21 =	sshll.u32 s6, $0x1;
	s3 =	sadd.s32 s19, s18  }
0xa2: {  	s7 =	simm.s32 $0x0;
	s20 =	sshll.u32 s5, $0x1;
	s5 =	sadd.s32 s21, s3  }
0xa3: {  	[timem:s7], [sflag:s22] =	dma.local [hbm:s5], s20  }
0xa4: {  	_ =	swait.ge [sflag:s22], s20  }
0xa5: {  	s4 =	ssub.s32 $0x0, s20;
	[sflag:s22] =	ssyncset.done $0x0  }
0xa6: {  	[sflag:s22] =	ssyncadd.s32 s4;
	_ =	sdelay $0x1  }
0xa7: {  	s23 =	simm.s32 $0x1B8B  }
0xa8: {  	_ =	swait.ge [sflag:s23], $0x1  }
0xa9: {  	[sflag:s23] =	ssyncset.done $0x0  }
0xaa: {  	s25 =	simm.s32 $0x1B8E;
	s24 =	sld [smem:$0x3FFE];
	[sflag:s23] =	ssyncadd.s32 $0xFFFFFFFF  }
0xab: {  	s26 =	simm.s32 $execute0_lowered;
	[smem:$0x3FD2] =	sst s25  }
0xac: {  	s5 =	sshll.u32 s26, $0x1;
	_ =	strace $0x80000049;
	[dreg:$0x1] =	wrdreg $0xFFFFFFFF  }
0xad: {  	s28 =	simm.s32 $_size_execute0_lowered;
	s3 =	sadd.s32 s3, s5;
	[dreg:$0x0] =	wrdreg $0x0  }
0xae: {  	s5 =	sshll.u32 s28, $0x1;
	[dreg:$0x2] =	wrdreg s3  }
0xaf: {  	[dreg:$0x3] =	wrdreg s5  }
0xb0: {  	[dreg:$0x4] =	wrdreg $0xC0  }
0xb1: {  	_ =	task [dreg:s7], $0x5FFFF  }
0xb2: {  	[dreg:$0x1] =	wrdreg $0xFFFFFFFF  }
0xb3: {  	[dreg:$0x0] =	wrdreg $0x60  }
0xb4: {  	[dreg:$0x2] =	wrdreg s24  }
0xb5: {  	[dreg:$0x3] =	wrdreg s16  }
0xb6: {  	[dreg:$0x4] =	wrdreg $0x9  }
0xb7: {  	_ =	task.clear_ibuf [dreg:s7], $0x5FFFF;
	_ =	strace $0x90000049  }
0xb8: {  	s29 =	simm.s32 $0x9;
	_ =	strace $0x8000004B  }
0xb9: {  	_ =	swait.ge [sflag:s29], $0x1  }
0xba: {  	[sflag:s29] =	ssyncadd.s32 $0xFFFFFFFF  }
0xbb: {  	_ =	strace $0x9000004B  }
0xbc: {  	_ =	sfence  }
0xbd: {  	s30 =	sld [smem:$0x0];
	_ =	sdelay $0x2  }
0xbe: {  	s31 =	sshll.u32 s1, $0xD;
	s1 =	sshrl.u32 s1, $0x2  }
0xbf: {  	s3 =	sand.u32 $0x4000, s31;
	s1 =	sadd.s32 s1, s30  }
0xc0: {  	s0 =	sor.u32 s3, s0;
	s1 =	sshll.u32 s1, $0x11  }
0xc1: {  	s0 =	sor.u32 s1, s0  }
0xc2: {  	s0 =	sadd.s32 $0x8F2B, s0  }
0xc3: {  	[sflag:s0] =	ssyncadd.remote.s32 $0x1  }
0xc4: {  	_ =	sfence.sel $0xFFFF  }
0xc5: {  	[dreg:$0x0] =	wrdreg $0xFFFFFFFF;
	(pc) =	sbr.abs _section_cstart, $3  }
0xc6: {  	[dreg:$0x1] =	wrdreg $0xFFFFFFFF  }
0xc7: {  	_ =	task.clear_ibuf [dreg:s7], $0x2FFFF;
	_ =	strace $0x9FFFFFFF  }
0xc8: {  	(tm) =	ssettm $0x7FFFFFFF  }
0xc9: {  	_ =	shalt  }
tec
execute0_lowered:
.L_overlay_start_1:
0x0: {  	(tag) =	ssettag $0x1  }
0x1: {  	s1 =	srdreg.scid;
	s5 =	rddreg [dreg:$0x0]  }
0x2: {  	s0 =	stileid.u32;
	s2 =	rddreg [dreg:$0x1];
	s6 =	simm.s32 $0x1  }
0x3: {  	s9 =	simm.s32 $0x1;
	s10 =	simm.s32 $0x3;
	s1 =	sshll.u32 s1, $0x6  }
0x4: {  	s13 =	simm.s32 $0x0;
	s3 =	sshll.u32 s0, $0x7;
	s4 =	sand.u32 $0x40, s1  }
0x5: {  	s12 =	simm.s32 $0x0;
	s1 =	rddreg [dreg:$0x2];
	s3 =	sor.u32 s3, s4  }
0x6: {  	_ =	strace $0x8000004A;
	s4 =	sadd.s32 $0x40C00, s5;
	s8 =	ssub.s32 $0x1000, s3  }
.Ltmp0:
0x7: {  	s5 =	sadd.s32 $0x40400, s5;
	s7 =	sand.u32 $0x7C0, s8;
	(pc) =	sbr.rel .LBB2_1-.Ltmp0, $4  }
0x8: {  	[sflag:s6] =	ssyncpa.u1 $0x0;
	s11 =	smov.u32 s3;
	p0 =	sne.s32 s7, $0x0  }
0x9: {  	s8 =	sshrl.u32 s8, $0xB;
	s7 =	simm.s32 $0x2;
	s9 =	simm.s32 @!p0 $0x0  }
0xa: {  	[sflag:s7] =	ssyncpa.u1 $0x0;
	p0 =	por $0x0, $0x0;
	s8 =	sadd.s32 s9, s8  }
0xb: {  	vm0 =	vmmov $0xffff;
	[sflag:s10] =	ssyncpa.u1 $0x0;
	s10 =	simm.s32 $0x0;
	s9 =	sadd.s32 $0x1, s8  }
.LBB2_4:
0xc: {  	v2 =	vnsel vm1, $0x0, v2  }
0xd: {  	vm1 =	vgt.s32 v0, $0x0;
	v2 =	vmin.u32 v2, $0xFFF  }
0xe: {  	v0 =	vnsel vm1, $0x0, v0  }
0xf: {  	v0 =	vmin.u32 v0, $0xFFF  }
0x10: {  	[tilespmem:s15], [sflag:$0x1] =	stream.indirect_vreg.gather [hbm4b:s4+s10], $0x1, v1, vm0, $0x4038;
	[tilespmem:$0x100] =	vst v63  }
0x11: {  	(ifvalue) =	ssetifvalue $0x7FFFFFFF  }
0x12: {  	[tilespmem:s16], [sflag:$0x1] =	stream.indirect_vreg.gather [hbm4b:s4+s10], $0x1, v2, vm0, $0x4038;
	[tilespmem:$0x100] =	vst v63  }
0x13: {  	s29 =	sadd.s32 $0x10, s16;
	(ifvalue) =	ssetifvalue $0x7FFFFFFF  }
0x14: {  	[tilespmem:s29], [sflag:$0x1] =	stream.indirect_vreg.gather [hbm4b:s4+s10], $0x1, v0, vm0, $0x4038;
	[tilespmem:$0x100] =	vst v63  }
0x15: {  	_ =	swait.ge [sflag:s6], $0x40  }
0x16: {  	s30 =	sshrl.u32 s13, $0x3;
	[sflag:s6] =	ssyncset.done $0x0  }
0x17: {  	s31 =	sand.u32 $0x7, s13;
	s15 =	sadd.s32 s2, s30;
	[sflag:s6] =	ssyncadd.s32 $0xFFFFFFC0  }
0x18: {  	[hbm4b:s15+s31] =	stream.linear.scatter [tilespmem:s14], [sflag:$0x3], $0x40, $0x38;
	[tilespmem:$0x100] =	vst v63  }
.LBB2_5:
0x19: {  	s15 =	sadd.s32 $0x800, s11  }
0x1a: {  	p2 =	sgt.s32 s15, $0xFFF  }
0x1b: {  	s15 =	smov.u32 @p2 s3;
	p2 =	sne.s32 s12, s9  }
.Ltmp1:
0x1c: {  	p1 =	slt.u32 s12, $0x2;
	(pc) =	sbr.rel @!p2 .LBB2_6-.Ltmp1, $4  }
0x1d: {  	s14 =	simm.s32 @!p1 $0x3  }
0x1e: {  	s16 =	sadd.s32 $0x1, s12;
	_ =	swait.ge @!p1 [sflag:s14], $0x40  }
0x1f: {  	s13 =	smov.u32 s11;
	p0 =	por !p0, !p0;
	[sflag:s14] =	ssyncset.done @!p1 $0x0  }
0x20: {  	s12 =	smov.u32 s16;
	s11 =	smov.u32 s15;
	[sflag:s14] =	ssyncadd.s32 @!p1 $0xFFFFFFC0  }
.LBB2_1:
0x21: {  	p1 =	sge.u32 s12, s8  }
0x22: {  	s14 =	sxor.u32 @!p1 $0xFFFFFFFF, s12  }
0x23: {  	s31 =	sadd.s32 $0xFFFFFFFF, s12;
	s15 =	sshrl.u32 @!p1 s11, $0x3;
	s14 =	sshll.u32 @!p1 s14, $0x6  }
0x24: {  	s16 =	sand.u32 @!p1 $0x7, s11;
	s15 =	sadd.s32 @!p1 s5, s15;
	s14 =	sand.u32 @!p1 $0x40, s14  }
0x25: {  	[tilespmem:s14], [sflag:$0x2] =	stream.linear.gather @!p1 [hbm4b:s15+s16], $0x40, $0x38;
	[tilespmem:$0x100] =	vst v63  }
0x26: {  	p1 =	sge.u32 s31, s8  }
.Ltmp2:
0x27: {  	_ = 	snop;
	(pc) =	sbr.rel @p1 .LBB2_5-.Ltmp2, $1  }
0x28: {  	_ =	sdelay $0x3  }
0x29: {  	s14 =	simm.s32 $0x1  }
0x2a: {  	_ =	swait.ge [sflag:s7], $0x40;
	s14 =	simm.s32 @!p0 $0x0  }
0x2b: {  	[sflag:s7] =	ssyncset.done $0x0;
	s14 =	sshll.u32 s14, $0x6  }
0x2c: {  	[sflag:s7] =	ssyncadd.s32 $0xFFFFFFC0;
	(ifvalue) =	ssetifvalue $0x7FFFFFFF;
	v0 =	vld.msk [tilespmem:s14+$0x0 ss:$0x1], $0xffff;
	_ =	sdelay $0x4  }
0x2d: {  	s15 =	sadd.s32 $0x10, s14;
	vm1 =	vgt.s32 v0, $0x0  }
0x2e: {  	v2 =	vld.msk [tilespmem:s15+$0x0 ss:$0x1], $0xffff;
	v1 =	vnsel vm1, $0x0, v0  }
0x2f: {  	v1 =	vmin.u32 v1, $0xFFF;
	_ =	sdelay $0x1  }
0x30: {  	s16 =	sshll.u32 s12, $0x6;
	s18 =	simm.s32 $0x20  }
0x31: {  	s16 =	sand.u32 $0x40, s16;
	s17 =	sadd.s32 $0x10, s15;
	s15 =	sor.u32 $0x80, s14  }
0x32: {  	s14 =	sor.u32 $0x80, s16;
	s16 =	sadd.s32 $0x10, s15;
	v0 =	vld.msk [tilespmem:s17+$0x0 ss:$0x1], $0xffff;
	vm1 =	vgt.s32 v2, $0x0;
	(ifvalue) =	ssetifvalue $0x7FFFFFFF  }
.LBB2_3:
0x33: {  	[tilespmem:s15], [sflag:$0x1] =	stream.indirect_vreg.gather [hbm4b:s4+s10], $0x1, v1, vm0, $0x4038;
	[tilespmem:$0x100] =	vst v63  }
0x34: {  	s18 =	sadd.s32 $0x10, s18  }
0x35: {  	v2 =	vnsel vm1, $0x0, v2;
	p1 =	slt.u32 s18, $0x30  }
.Ltmp3:
0x36: {  	s15 =	smov.u32 s16;
	v1 =	vmin.u32 v2, $0xFFF;
	(pc) =	sbr.rel @p1 .LBB2_3-.Ltmp3, $3  }
0x37: {  	_ =	sdelay $0x1  }
0x38: {  	s17 =	sadd.s32 $0x10, s17  }
0x39: {  	vm1 =	vgt.s32 v0, $0x0;
	s16 =	sadd.s32 $0x10, s16;
	v2 =	vmov v0;
	(ifvalue) =	ssetifvalue $0x7FFFFFFF;
	v0 =	vld.msk [tilespmem:s17+$0x0 ss:$0x1], $0xffff  }
.Ltmp4:
0x3a: {  	_ = 	snop;
	(pc) =	sbr.rel .LBB2_4-.Ltmp4, $1  }
0x3b: {  	_ =	sdelay $0x3  }
.LBB2_6:
0x3c: {  	_ =	sfence.sel $0x180000  }
0x3d: {  	s2 =	simm.s32 $0x2;
	[bflag:$0x0] =	sbarrier.arrive $0xFFFF  }
0x3e: {  	s30 =	simm.s32 $0x3;
	[sflag:s2] =	ssyncpa.u1 $0x1  }
0x3f: {  	s31 =	simm.s32 $0x1;
	[sflag:s30] =	ssyncpa.u1 $0x1  }
0x40: {  	[sflag:s31] =	ssyncpa.u1 $0x1  }
0x41: {  	p0 =	sne.s32 s0, $0x0;
	_ =	strace $0x9000004A  }
0x42: {  	s0 =	sadd.s32 @!p0 $0x100000, s1;
	[bflag:$0x2] =	sbarrier.arrive $0xFFFF  }
0x43: {  	[sflag:s0] =	ssyncadd.tile.s32 @!p0 $0x1;
	_ =	shalt  }
.Lfunc_end2:
_tile_overlayer_lowered:
.L_overlay_start_2:
0x44: {  	(tag) =	ssettag $0x2  }
0x45: {  	s0 =	rddreg [dreg:$0x0];
	s2 =	stileid.u32  }
0x46: {  	s1 =	rddreg [dreg:$0x1];
	p0 =	sne.s32 s2, $0x0  }
0x47: {  	s3 =	rddreg [dreg:$0x2];
	[bflag:$0x3] =	sbarrier.arrive $0xFFFF;
	s2 =	simm.s32 @!p0 $0x1C01  }
0x48: {  	[timem:s3], [sflag:s2] =	dma.local @!p0 [hbm:s0], s1  }
0x49: {  	s0 =	simm.s32 @!p0 $0x1  }
0x4a: {  	_ =	swait.ge @!p0 [sflag:s0], s1  }
0x4b: {  	s1 =	ssub.s32 @!p0 $0x0, s1;
	[sflag:s0] =	ssyncset.done @!p0 $0x0  }
0x4c: {  	[sflag:s0] =	ssyncadd.s32 @!p0 s1  }
0x4d: {  	[bflag:$0x3] =	sbarrier.arrive $0xFFFF  }
0x4e: {  	_ =	shalt  }

// kernel: scatter_offload_async_start
scs
__scs_entry_jumppad:
0x0: {  	(pc) =	sbr.rel $0x88, $3  }
0x1: {  	(tag) =	ssettag $0x0;
	lr =	simm.s32 $0x1  }
0x2: {  	[smem:$0x3F98] =	sst lr;
	_ =	strace $0xD0000000  }
0x3: {  	_ = 	snop  }
0x4: {  	_ = 	snop  }
0x5: {  	_ = 	snop  }
0x6: {  	_ = 	snop  }
0x7: {  	_ = 	snop  }
__scs_overlays_trampoline_lowered:
0x8: {  	[smem:$0x3FA7] =	sst s0  }
0x9: {  	[smem:$0x3FA8] =	sst s1  }
0xa: {  	[smem:$0x3FA9] =	sst s2  }
0xb: {  	[smem:$0x3FAA] =	sst s3  }
0xc: {  	[smem:$0x3FAB] =	sst s4  }
0xd: {  	[smem:$0x3FAC] =	sst s5  }
0xe: {  	[smem:$0x3FAD] =	sst s6  }
0xf: {  	[smem:$0x3FAE] =	sst s7  }
0x10: {  	[smem:$0x3FAF] =	sst s8  }
0x11: {  	[smem:$0x3FB0] =	sst s9;
	s0 =	simm.s32 @!p0 $0x0  }
0x12: {  	s1 =	sld [smem:$0x3F96];
	s0 =	simm.s32 @p0 $0x1  }
0x13: {  	[smem:$0x3FB1] =	sst s0;
	s0 =	simm.s32 @!p1 $0x0  }
0x14: {  	s2 =	sld [smem:$0x3F95];
	s0 =	simm.s32 @p1 $0x1  }
0x15: {  	[smem:$0x3FB2] =	sst s0;
	s0 =	simm.s32 @!p2 $0x0  }
0x16: {  	s3 =	sld [smem:$0x3FDB];
	s0 =	simm.s32 @p2 $0x1  }
0x17: {  	s4 =	simm.s32 $0x1BF5;
	[smem:$0x3FB4] =	sst s0  }
0x18: {  	s0 =	sld [smem:$0x3F97];
	_ =	swait.ge [sflag:s4], $0x0  }
0x19: {  	s7 =	sld [smem:$0x3F98]  }
0x1a: {  	s8 =	sadd.s32 $0xFFFFE003, lr  }
0x1b: {  	s9 =	sadd.s32 $0xFFFFFEF7, lr;
	s5 =	simm.s32 $0xFFFFFFFF;
	p2 =	slt.u32 s8, $0xFFFFF086  }
0x1c: {  	p1 =	slt.u32 s9, $0xF7A;
	s5 =	simm.s32 @!p2 $0x0  }
0x1d: {  	s5 =	simm.s32 @p1 $0x1;
	p0 =	seq.s32 s7, s2  }
0x1e: {  	s7 =	smul.u32 @!p0 $0xF7A, s2;
	p2 =	seq.s32 @!p0 s5, $0x0  }
0x1f: {  	s9 =	smul.u32 $0xF7A, s1;
	s8 =	simm.s32 @!p0 $0x1BF5;
	p2 =	por !p2, p0  }
0x20: {  	[sflag:s8] =	ssyncset.s32 @!p0 $0xFFFFF086;
	s6 =	sadd.s32 @!p0 s3, s7;
	s7 =	simm.s32 @!p0 $0x108  }
0x21: {  	s3 =	sadd.s32 s3, s9;
	s6 =	sadd.s32 @!p0 $0x88, s6;
	s7 =	simm.s32 @p2 $0x1082  }
0x22: {  	[simem:s7], [sflag:s8] =	dma.local @!p0 [hbm:s6], $0xF7A  }
0x23: {  	s9 =	sor.u32 $0xD0000000, s2;
	s6 =	simm.s32 $0x108;
	_ =	swait.ge @!p0 [sflag:s8], $0x0  }
0x24: {  	s3 =	sadd.s32 $0x88, s3;
	s6 =	simm.s32 @!p1 $0x1082;
	[sflag:s4] =	ssyncset.s32 $0xFFFFF086  }
0x25: {  	[simem:s6], [sflag:s4] =	dma.local [hbm:s3], $0xF7A  }
0x26: {  	[smem:$0x3F98] =	sst s1;
	(tag) =	ssettag s2;
	_ =	strace s9  }
0x27: {  	s1 =	sld [smem:$0x3FA8]  }
0x28: {  	s2 =	sld [smem:$0x3FA9]  }
0x29: {  	s4 =	sld [smem:$0x3FAB]  }
0x2a: {  	p0 =	seq.s32 s5, $0x0;
	s5 =	sld [smem:$0x3FAC]  }
0x2b: {  	s6 =	sld [smem:$0x3FAD]  }
0x2c: {  	s7 =	sld [smem:$0x3FAE]  }
0x2d: {  	s3 =	simm.s32 $0x108;
	s8 =	sld [smem:$0x3FAF]  }
0x2e: {  	s3 =	simm.s32 @!p0 $0x1082;
	s9 =	sld [smem:$0x3FB0]  }
0x2f: {  	lr =	sadd.s32 s0, s3;
	s0 =	sld [smem:$0x3FA7]  }
0x30: {  	s3 =	sld [smem:$0x3FAA]  }
0x31: {  	[smem:$0x3FB3] =	sst s10  }
0x32: {  	s10 =	sld [smem:$0x3FB1];
	_ =	sdelay $0x3  }
0x33: {  	p0 =	seq.s32 s10, $0x1;
	s10 =	sld [smem:$0x3FB3];
	_ =	sdelay $0x3  }
0x34: {  	[smem:$0x3FB3] =	sst s10  }
0x35: {  	s10 =	sld [smem:$0x3FB2];
	_ =	sdelay $0x3  }
0x36: {  	p1 =	seq.s32 s10, $0x1;
	s10 =	sld [smem:$0x3FB3];
	_ =	sdelay $0x3  }
0x37: {  	[smem:$0x3FB3] =	sst s10  }
0x38: {  	s10 =	sld [smem:$0x3FB4]  }
0x39: {  	_ = 	snop;
	(pc) =	sbr.ind lr, $3  }
0x3a: {  	_ = 	snop  }
0x3b: {  	_ = 	snop  }
0x3c: {  	p2 =	seq.s32 s10, $0x1;
	s10 =	sld [smem:$0x3FB3]  }
0x3d: {  	_ =	shalt  }
0x3e: {  	_ =	shalt  }
0x3f: {  	_ =	shalt  }
0x40: {  	_ =	shalt  }
0x41: {  	_ =	shalt  }
0x42: {  	_ =	shalt  }
0x43: {  	_ =	shalt  }
0x44: {  	_ =	shalt  }
0x45: {  	_ =	shalt  }
0x46: {  	_ =	shalt  }
0x47: {  	_ =	shalt  }
0x48: {  	_ =	shalt  }
0x49: {  	_ =	shalt  }
0x4a: {  	_ =	shalt  }
0x4b: {  	_ =	shalt  }
0x4c: {  	_ =	shalt  }
0x4d: {  	_ =	shalt  }
0x4e: {  	_ =	shalt  }
0x4f: {  	_ =	shalt  }
0x50: {  	_ =	shalt  }
0x51: {  	_ =	shalt  }
0x52: {  	_ =	shalt  }
0x53: {  	_ =	shalt  }
0x54: {  	_ =	shalt  }
0x55: {  	_ =	shalt  }
0x56: {  	_ =	shalt  }
0x57: {  	_ =	shalt  }
0x58: {  	_ =	shalt  }
0x59: {  	_ =	shalt  }
0x5a: {  	_ =	shalt  }
0x5b: {  	_ =	shalt  }
0x5c: {  	_ =	shalt  }
0x5d: {  	_ =	shalt  }
0x5e: {  	_ =	shalt  }
0x5f: {  	_ =	shalt  }
0x60: {  	_ =	shalt  }
0x61: {  	_ =	shalt  }
0x62: {  	_ =	shalt  }
0x63: {  	_ =	shalt  }
0x64: {  	_ =	shalt  }
0x65: {  	_ =	shalt  }
0x66: {  	_ =	shalt  }
0x67: {  	_ =	shalt  }
0x68: {  	_ =	shalt  }
0x69: {  	_ =	shalt  }
0x6a: {  	_ =	shalt  }
0x6b: {  	_ =	shalt  }
0x6c: {  	_ =	shalt  }
0x6d: {  	_ =	shalt  }
0x6e: {  	_ =	shalt  }
0x6f: {  	_ =	shalt  }
0x70: {  	_ =	shalt  }
0x71: {  	_ =	shalt  }
0x72: {  	_ =	shalt  }
0x73: {  	_ =	shalt  }
0x74: {  	_ =	shalt  }
0x75: {  	_ =	shalt  }
0x76: {  	_ =	shalt  }
0x77: {  	_ =	shalt  }
0x78: {  	_ =	shalt  }
0x79: {  	_ =	shalt  }
0x7a: {  	_ =	shalt  }
0x7b: {  	_ =	shalt  }
0x7c: {  	_ =	shalt  }
0x7d: {  	_ =	shalt  }
0x7e: {  	_ =	shalt  }
0x7f: {  	_ =	shalt  }
0x80: {  	_ =	shalt  }
0x81: {  	_ =	shalt  }
0x82: {  	_ =	shalt  }
0x83: {  	_ =	shalt  }
0x84: {  	_ =	shalt  }
0x85: {  	_ =	shalt  }
0x86: {  	_ =	shalt  }
0x87: {  	_ =	shalt  }
.Lfunc_end0:
.L_simem_size_0:
called_computation_lowered:
.L_overlay_start_0:
0x88: {  	s0 =	sld [smem:$0x3FD9]  }
0x89: {  	s1 =	sld [smem:$0x3FFE];
	_ =	sdelay $0x3  }
0x8a: {  	s0 =	sadd.s32 s1, s0  }
0x8b: {  	[smem:$0x3FBF] =	sst s0  }
0x8c: {  	_ = 	snop  }
0x8d: {  	s0 =	sld [smem:$0x3FD0];
	_ =	sdelay $0x2  }
0x8e: {  	s13 =	simm.s32 $0xB;
	s2 =	simm.s32 $0x10  }
0x8f: {  	[smem:s2], [sflag:s13] =	dma.local [hbm:s0], $0x1  }
0x90: {  	_ =	swait.eq [sflag:s13], $0x1  }
0x91: {  	[sflag:s13] =	ssyncset.done $0x0  }
0x92: {  	[sflag:s13] =	ssyncadd.s32 $0xFFFFFFFF  }
0x93: {  	s14 =	sld [smem:$0x10];
	(tm) =	ssettm $0x1  }
0x94: {  	s15 =	sld [smem:$0x3FFB];
	_ =	sdelay $0x3  }
0x95: {  	_ =	strace s15  }
0x96: {  	s1 =	sld [smem:$0x3FFC];
	_ =	sdelay $0x3  }
0x97: {  	_ =	strace s1  }
0x98: {  	s1 =	sld [smem:$0x3FFD];
	_ =	sdelay $0x3  }
0x99: {  	_ =	strace s1  }
0x9a: {  	_ =	strace $0x8FFFFFFF  }
0x9b: {  	s16 =	sld [smem:$0x3FDB];
	_ =	sdelay $0x1  }
0x9c: {  	s17 =	simm.s32 $_scs_section_size  }
0x9d: {  	s3 =	simm.s32 $_size__tile_overlayer_lowered;
	s4 =	simm.s32 $_tile_overlayer_lowered  }
0x9e: {  	s20 =	simm.s32 $0x1BFF;
	s19 =	sshll.u32 s4, $0x1;
	s1 =	sadd.s32 s17, s16  }
0x9f: {  	s5 =	simm.s32 $0x0;
	s18 =	sshll.u32 s3, $0x1;
	s3 =	sadd.s32 s19, s1  }
0xa0: {  	[timem:s5], [sflag:s20] =	dma.local [hbm:s3], s18  }
0xa1: {  	_ =	swait.ge [sflag:s20], s18  }
0xa2: {  	s2 =	ssub.s32 $0x0, s18;
	[sflag:s20] =	ssyncset.done $0x0  }
0xa3: {  	[sflag:s20] =	ssyncadd.s32 s2;
	_ =	sdelay $0x1  }
0xa4: {  	s21 =	simm.s32 $0x1B8B  }
0xa5: {  	_ =	swait.ge [sflag:s21], $0x1  }
0xa6: {  	[sflag:s21] =	ssyncset.done $0x0  }
0xa7: {  	s23 =	simm.s32 $0x1B8E;
	s22 =	sld [smem:$0x3FFE];
	[sflag:s21] =	ssyncadd.s32 $0xFFFFFFFF  }
0xa8: {  	s24 =	simm.s32 $execute0_lowered;
	[smem:$0x3FD2] =	sst s23  }
0xa9: {  	s3 =	sshll.u32 s24, $0x1;
	_ =	strace $0x80000046;
	[dreg:$0x1] =	wrdreg $0xFFFFFFFF  }
0xaa: {  	s25 =	simm.s32 $_size_execute0_lowered;
	s1 =	sadd.s32 s1, s3;
	[dreg:$0x0] =	wrdreg $0x0  }
0xab: {  	s3 =	sshll.u32 s25, $0x1;
	[dreg:$0x2] =	wrdreg s1  }
0xac: {  	[dreg:$0x3] =	wrdreg s3  }
0xad: {  	[dreg:$0x4] =	wrdreg $0xC0  }
0xae: {  	_ =	task [dreg:s5], $0x5FFFF  }
0xaf: {  	[dreg:$0x1] =	wrdreg $0xFFFFFFFF  }
0xb0: {  	[dreg:$0x0] =	wrdreg $0x60  }
0xb1: {  	[dreg:$0x2] =	wrdreg s22  }
0xb2: {  	[dreg:$0x3] =	wrdreg s14  }
0xb3: {  	[dreg:$0x4] =	wrdreg $0x9  }
0xb4: {  	_ =	task.clear_ibuf [dreg:s5], $0x5FFFF;
	_ =	strace $0x90000046  }
0xb5: {  	s26 =	simm.s32 $0x9;
	_ =	strace $0x80000048  }
0xb6: {  	_ =	swait.ge [sflag:s26], $0x1  }
0xb7: {  	[sflag:s26] =	ssyncadd.s32 $0xFFFFFFFF  }
0xb8: {  	_ =	strace $0x90000048  }
0xb9: {  	_ =	sfence  }
0xba: {  	s28 =	sld [smem:$0x0];
	_ =	sdelay $0x1  }
0xbb: {  	s29 =	srdreg.scid  }
0xbc: {  	s30 =	sshll.u32 s29, $0xD;
	s31 =	sshrl.u32 s29, $0x2  }
0xbd: {  	s2 =	sand.u32 $0x4000, s30;
	s1 =	sand.u32 $0x1, s29;
	s0 =	sadd.s32 s31, s28  }
0xbe: {  	s1 =	sor.u32 s2, s1;
	s0 =	sshll.u32 s0, $0x11  }
0xbf: {  	s0 =	sor.u32 s0, s1  }
0xc0: {  	s0 =	sadd.s32 $0x8F2B, s0  }
0xc1: {  	[sflag:s0] =	ssyncadd.remote.s32 $0x1  }
0xc2: {  	_ =	sfence.sel $0xFFFF  }
0xc3: {  	[dreg:$0x0] =	wrdreg $0xFFFFFFFF;
	(pc) =	sbr.abs _section_cstart, $3  }
0xc4: {  	[dreg:$0x1] =	wrdreg $0xFFFFFFFF  }
0xc5: {  	_ =	task.clear_ibuf [dreg:s5], $0x2FFFF;
	_ =	strace $0x9FFFFFFF  }
0xc6: {  	(tm) =	ssettm $0x7FFFFFFF  }
0xc7: {  	_ =	shalt  }
tec
execute0_lowered:
.L_overlay_start_1:
0x0: {  	(tag) =	ssettag $0x1  }
0x1: {  	s5 =	rddreg [dreg:$0x0]  }
0x2: {  	s6 =	rddreg [dreg:$0x1]  }
0x3: {  	s0 =	rddreg [dreg:$0x2];
	_ =	strace $0x80000047;
	s7 =	stileid.u32  }
0x4: {  	s3 =	simm.s32 $0x3E;
	s1 =	sadd.s32 $0x40600, s5;
	p0 =	sne.s32 s7, $0x0  }
0x5: {  	[sflag:s3] =	ssyncpa.u1 $0x0;
	s4 =	simm.s32 @!p0 $0x1C3E;
	s2 =	simm.s32 @!p0 $0x0  }
0x6: {  	[spmem:s2], [sflag:s4] =	dma.local @!p0 [hbm:s1], $0x10  }
0x7: {  	s4 =	simm.s32 @!p0 $0x3E  }
0x8: {  	_ =	swait.ge @!p0 [sflag:s4], $0x10  }
0x9: {  	[sflag:s4] =	ssyncset.done @!p0 $0x0  }
0xa: {  	[sflag:s4] =	ssyncadd.s32 @!p0 $0xFFFFFFF0  }
0xb: {  	s9 =	simm.s32 $0x108;
	s5 =	sadd.s32 $0x40800, s5;
	[bflag:$0x0] =	sbarrier.arrive $0xFFFF  }
0xc: {  	s7 =	sshll.u32 s7, $0x5;
	[sflag:s3] =	ssyncpa.u1 $0x1;
	s3 =	simm.s32 $0x1  }
0xd: {  	s8 =	sadd.s32 s5, s7;
	s4 =	simm.s32 $0x2;
	[sflag:s3] =	ssyncpa.u1 $0x0  }
0xe: {  	s5 =	simm.s32 $0x0;
	(ifvalue) =	ssetifvalue $0x80;
	[sflag:s4] =	ssyncpa.u1 $0x0  }
0xf: {  	[tilespmem:s9], [sflag:$0x2] =	stream.linear.gather [hbm4b:s8+s5], $0x100, $0x38;
	[tilespmem:$0x408] =	vst v63  }
0x10: {  	s23 =	simm.s32 $0x308;
	s6 =	sadd.s32 s6, s7  }
0x11: {  	[tilespmem:s23], [sflag:$0x2] =	stream.linear.gather [hbm4b:s6+s5], $0x100, $0x38;
	[tilespmem:$0x408] =	vst v63  }
0x12: {  	_ =	swait.ge [sflag:s4], $0x200  }
0x13: {  	[sflag:s4] =	ssyncset.done $0x0  }
0x14: {  	[sflag:s4] =	ssyncadd.s32 $0xFFFFFE00  }
0x15: {  	v0 =	vld.msk [tilespmem:s9+$0x0 ss:$0x1], $0xffff;
	_ =	sdelay $0x4  }
0x16: {  	v0 =	vmin.u32 v0, $0x80;
	_ =	sdelay $0x3  }
0x17: {  	vm0 =	vmmov $0xffff;
	s24 =	simm.s32 $0x118  }
0x18: {  	[spmem:s5] =	stream.indirect_vreg.scatter.add.s32 [tilespmem:s23], [sflag:$0x1], $0x1, v0, vm0, $0x4038;
	[tilespmem:$0x408] =	vst v63  }
0x19: {  	v0 =	vld.msk [tilespmem:s24+$0x0 ss:$0x1], $0xffff;
	_ =	sdelay $0x4  }
0x1a: {  	v0 =	vmin.u32 v0, $0x80;
	_ =	sdelay $0x3  }
0x1b: {  	s25 =	simm.s32 $0x318;
	s26 =	simm.s32 $0x128  }
0x1c: {  	[spmem:s5] =	stream.indirect_vreg.scatter.add.s32 [tilespmem:s25], [sflag:$0x1], $0x1, v0, vm0, $0x4038;
	[tilespmem:$0x408] =	vst v63  }
0x1d: {  	v0 =	vld.msk [tilespmem:s26+$0x0 ss:$0x1], $0xffff;
	_ =	sdelay $0x4  }
0x1e: {  	v0 =	vmin.u32 v0, $0x80;
	_ =	sdelay $0x3  }
0x1f: {  	s28 =	simm.s32 $0x328;
	s29 =	simm.s32 $0x138  }
0x20: {  	[spmem:s5] =	stream.indirect_vreg.scatter.add.s32 [tilespmem:s28], [sflag:$0x1], $0x1, v0, vm0, $0x4038;
	[tilespmem:$0x408] =	vst v63  }
0x21: {  	v0 =	vld.msk [tilespmem:s29+$0x0 ss:$0x1], $0xffff;
	_ =	sdelay $0x4  }
0x22: {  	v0 =	vmin.u32 v0, $0x80;
	_ =	sdelay $0x3  }
0x23: {  	s30 =	simm.s32 $0x338;
	s31 =	simm.s32 $0x148  }
0x24: {  	[spmem:s5] =	stream.indirect_vreg.scatter.add.s32 [tilespmem:s30], [sflag:$0x1], $0x1, v0, vm0, $0x4038;
	[tilespmem:$0x408] =	vst v63  }
0x25: {  	v0 =	vld.msk [tilespmem:s31+$0x0 ss:$0x1], $0xffff;
	_ =	sdelay $0x4  }
0x26: {  	v0 =	vmin.u32 v0, $0x80;
	_ =	sdelay $0x3  }
0x27: {  	s7 =	simm.s32 $0x348;
	s8 =	simm.s32 $0x158  }
0x28: {  	[spmem:s5] =	stream.indirect_vreg.scatter.add.s32 [tilespmem:s7], [sflag:$0x1], $0x1, v0, vm0, $0x4038;
	[tilespmem:$0x408] =	vst v63  }
0x29: {  	v0 =	vld.msk [tilespmem:s8+$0x0 ss:$0x1], $0xffff;
	_ =	sdelay $0x4  }
0x2a: {  	v0 =	vmin.u32 v0, $0x80;
	_ =	sdelay $0x3  }
0x2b: {  	s10 =	simm.s32 $0x168;
	s9 =	simm.s32 $0x358  }
0x2c: {  	[spmem:s5] =	stream.indirect_vreg.scatter.add.s32 [tilespmem:s9], [sflag:$0x1], $0x1, v0, vm0, $0x4038;
	[tilespmem:$0x408] =	vst v63  }
0x2d: {  	v0 =	vld.msk [tilespmem:s10+$0x0 ss:$0x1], $0xffff;
	_ =	sdelay $0x4  }
0x2e: {  	v0 =	vmin.u32 v0, $0x80;
	_ =	sdelay $0x3  }
0x2f: {  	s11 =	simm.s32 $0x368;
	s12 =	simm.s32 $0x178  }
0x30: {  	[spmem:s5] =	stream.indirect_vreg.scatter.add.s32 [tilespmem:s11], [sflag:$0x1], $0x1, v0, vm0, $0x4038;
	[tilespmem:$0x408] =	vst v63  }
0x31: {  	v0 =	vld.msk [tilespmem:s12+$0x0 ss:$0x1], $0xffff;
	_ =	sdelay $0x4  }
0x32: {  	v0 =	vmin.u32 v0, $0x80;
	_ =	sdelay $0x3  }
0x33: {  	s13 =	simm.s32 $0x378;
	s14 =	simm.s32 $0x188  }
0x34: {  	[spmem:s5] =	stream.indirect_vreg.scatter.add.s32 [tilespmem:s13], [sflag:$0x1], $0x1, v0, vm0, $0x4038;
	[tilespmem:$0x408] =	vst v63  }
0x35: {  	v0 =	vld.msk [tilespmem:s14+$0x0 ss:$0x1], $0xffff;
	_ =	sdelay $0x4  }
0x36: {  	v0 =	vmin.u32 v0, $0x80;
	_ =	sdelay $0x3  }
0x37: {  	s15 =	simm.s32 $0x388;
	s16 =	simm.s32 $0x198  }
0x38: {  	[spmem:s5] =	stream.indirect_vreg.scatter.add.s32 [tilespmem:s15], [sflag:$0x1], $0x1, v0, vm0, $0x4038;
	[tilespmem:$0x408] =	vst v63  }
0x39: {  	v0 =	vld.msk [tilespmem:s16+$0x0 ss:$0x1], $0xffff;
	_ =	sdelay $0x4  }
0x3a: {  	v0 =	vmin.u32 v0, $0x80;
	_ =	sdelay $0x3  }
0x3b: {  	s17 =	simm.s32 $0x398;
	s18 =	simm.s32 $0x1A8  }
0x3c: {  	[spmem:s5] =	stream.indirect_vreg.scatter.add.s32 [tilespmem:s17], [sflag:$0x1], $0x1, v0, vm0, $0x4038;
	[tilespmem:$0x408] =	vst v63  }
0x3d: {  	v0 =	vld.msk [tilespmem:s18+$0x0 ss:$0x1], $0xffff;
	_ =	sdelay $0x4  }
0x3e: {  	v0 =	vmin.u32 v0, $0x80;
	_ =	sdelay $0x3  }
0x3f: {  	s19 =	simm.s32 $0x3A8;
	s20 =	simm.s32 $0x1B8  }
0x40: {  	[spmem:s5] =	stream.indirect_vreg.scatter.add.s32 [tilespmem:s19], [sflag:$0x1], $0x1, v0, vm0, $0x4038;
	[tilespmem:$0x408] =	vst v63  }
0x41: {  	v0 =	vld.msk [tilespmem:s20+$0x0 ss:$0x1], $0xffff;
	_ =	sdelay $0x4  }
0x42: {  	v0 =	vmin.u32 v0, $0x80;
	_ =	sdelay $0x3  }
0x43: {  	s21 =	simm.s32 $0x3B8;
	s22 =	simm.s32 $0x1C8  }
0x44: {  	[spmem:s5] =	stream.indirect_vreg.scatter.add.s32 [tilespmem:s21], [sflag:$0x1], $0x1, v0, vm0, $0x4038;
	[tilespmem:$0x408] =	vst v63  }
0x45: {  	v0 =	vld.msk [tilespmem:s22+$0x0 ss:$0x1], $0xffff;
	_ =	sdelay $0x4  }
0x46: {  	v0 =	vmin.u32 v0, $0x80;
	_ =	sdelay $0x3  }
0x47: {  	s23 =	simm.s32 $0x3C8;
	s24 =	simm.s32 $0x1D8  }
0x48: {  	[spmem:s5] =	stream.indirect_vreg.scatter.add.s32 [tilespmem:s23], [sflag:$0x1], $0x1, v0, vm0, $0x4038;
	[tilespmem:$0x408] =	vst v63  }
0x49: {  	v0 =	vld.msk [tilespmem:s24+$0x0 ss:$0x1], $0xffff;
	_ =	sdelay $0x4  }
0x4a: {  	v0 =	vmin.u32 v0, $0x80;
	_ =	sdelay $0x3  }
0x4b: {  	s25 =	simm.s32 $0x3D8;
	s26 =	simm.s32 $0x1E8  }
0x4c: {  	[spmem:s5] =	stream.indirect_vreg.scatter.add.s32 [tilespmem:s25], [sflag:$0x1], $0x1, v0, vm0, $0x4038;
	[tilespmem:$0x408] =	vst v63  }
0x4d: {  	v0 =	vld.msk [tilespmem:s26+$0x0 ss:$0x1], $0xffff;
	_ =	sdelay $0x4  }
0x4e: {  	v0 =	vmin.u32 v0, $0x80;
	_ =	sdelay $0x3  }
0x4f: {  	s28 =	simm.s32 $0x3E8;
	s29 =	simm.s32 $0x1F8  }
0x50: {  	[spmem:s5] =	stream.indirect_vreg.scatter.add.s32 [tilespmem:s28], [sflag:$0x1], $0x1, v0, vm0, $0x4038;
	[tilespmem:$0x408] =	vst v63  }
0x51: {  	v0 =	vld.msk [tilespmem:s29+$0x0 ss:$0x1], $0xffff;
	_ =	sdelay $0x4  }
0x52: {  	v0 =	vmin.u32 v0, $0x80;
	_ =	sdelay $0x3  }
0x53: {  	s30 =	simm.s32 $0x3F8  }
0x54: {  	[spmem:s5] =	stream.indirect_vreg.scatter.add.s32 [tilespmem:s30], [sflag:$0x1], $0x1, v0, vm0, $0x4038;
	[tilespmem:$0x408] =	vst v63  }
0x55: {  	_ =	swait.ge [sflag:s3], $0x100  }
0x56: {  	[sflag:s3] =	ssyncset.done $0x0  }
0x57: {  	[sflag:s3] =	ssyncadd.s32 $0xFFFFFF00  }
0x58: {  	_ =	sfence.sel $0x180000  }
0x59: {  	[bflag:$0x0] =	sbarrier.arrive $0xFFFF  }
0x5a: {  	[sflag:s4] =	ssyncpa.u1 $0x1  }
0x5b: {  	[sflag:s3] =	ssyncpa.u1 $0x1  }
0x5c: {  	_ =	sfence.stream.spmem  }
0x5d: {  	s31 =	simm.s32 $0x3D;
	[bflag:$0x0] =	sbarrier.arrive $0xFFFF  }
0x5e: {  	s3 =	simm.s32 @p0 $0x3D;
	[sflag:s31] =	ssyncpa.u1 $0x0  }
0x5f: {  	[sflag:s3] =	ssyncpa.u1 @p0 $0x1  }
0x60: {  	[bflag:$0x0] =	sbarrier.arrive @p0 $0xFFFF  }
0x61: {  	_ =	strace @p0 $0x90000047  }
0x62: {  	s3 =	simm.s32 @!p0 $0x1C3D;
	[bflag:$0x2] =	sbarrier.arrive @p0 $0xFFFF  }
0x63: {  	[hbm:s1], [sflag:s3] =	dma.local @!p0 [spmem:s2], $0x10  }
0x64: {  	s1 =	simm.s32 @!p0 $0x3D  }
0x65: {  	_ =	swait.ge @!p0 [sflag:s1], $0x10  }
0x66: {  	[sflag:s1] =	ssyncset.done @!p0 $0x0  }
0x67: {  	[sflag:s1] =	ssyncadd.s32 @!p0 $0xFFFFFFF0  }
0x68: {  	[sflag:s1] =	ssyncpa.u1 @!p0 $0x1  }
0x69: {  	[bflag:$0x0] =	sbarrier.arrive @!p0 $0xFFFF  }
0x6a: {  	_ =	strace @!p0 $0x90000047  }
0x6b: {  	s0 =	sadd.s32 @!p0 $0x100000, s0;
	[bflag:$0x2] =	sbarrier.arrive @!p0 $0xFFFF  }
0x6c: {  	[sflag:s0] =	ssyncadd.tile.s32 @!p0 $0x1;
	_ =	shalt  }
.Lfunc_end2:
_tile_overlayer_lowered:
.L_overlay_start_2:
0x6d: {  	(tag) =	ssettag $0x2  }
0x6e: {  	s0 =	rddreg [dreg:$0x0];
	s2 =	stileid.u32  }
0x6f: {  	s1 =	rddreg [dreg:$0x1];
	p0 =	sne.s32 s2, $0x0  }
0x70: {  	s3 =	rddreg [dreg:$0x2];
	[bflag:$0x3] =	sbarrier.arrive $0xFFFF;
	s2 =	simm.s32 @!p0 $0x1C01  }
0x71: {  	[timem:s3], [sflag:s2] =	dma.local @!p0 [hbm:s0], s1  }
0x72: {  	s0 =	simm.s32 @!p0 $0x1  }
0x73: {  	_ =	swait.ge @!p0 [sflag:s0], s1  }
0x74: {  	s1 =	ssub.s32 @!p0 $0x0, s1;
	[sflag:s0] =	ssyncset.done @!p0 $0x0  }
0x75: {  	[sflag:s0] =	ssyncadd.s32 @!p0 s1  }
0x76: {  	[bflag:$0x3] =	sbarrier.arrive $0xFFFF  }
0x77: {  	_ =	shalt  }

</sc_bundles>
